<compile_context>
chip_gen: v7x
topology: tpu7x:2x2x1
jax: 0.10.2.dev20260603
libtpu: 0.0.44.dev20260713+nightly
codegen_flags: <defaults>
</compile_context>

<pallas_src>
import jax
import jax.numpy as jnp
from jax import lax
from jax.experimental import pallas as pl
from jax.experimental.pallas import tpu as pltpu
from jax.experimental.pallas import tpu_sc as plsc
from jax._src.pallas import mpmd as _pl_mpmd

B = 16384
C = 1000
NC = 2
NS = 16
NW = NC * NS
RPW = B // NW
ZBLK = 2048
TBL = 8192


def _zero_body(t_ref, o_ref):
    o_ref[...] = jnp.zeros_like(o_ref)


_zero_fill = pl.pallas_call(
    _zero_body,
    out_shape=jax.ShapeDtypeStruct((C, B), jnp.float32),
    grid=(B // ZBLK,),
    in_specs=[pl.BlockSpec(memory_space=pl.ANY)],
    out_specs=pl.BlockSpec((C, ZBLK), lambda i: (0, i)),
)


def _ones_body(tgt_hbm, zeros_hbm, out_hbm, idx_v, table_v, drain_v, sem):
    del zeros_hbm
    cid = lax.axis_index("c")
    sid = lax.axis_index("s")
    wid = sid * NC + cid
    base = pl.multiple_of(wid * RPW, 8)

    pltpu.sync_copy(tgt_hbm.at[pl.ds(base, RPW)], idx_v)

    @pl.loop(0, RPW // 16)
    def _grp(g):
        c16 = idx_v[pl.ds(pl.multiple_of(g * 16, 16), 16)]
        for k in range(16):
            ck = c16[k]
            q = jnp.where(c16 == ck, 1.0, 0.0)
            off = pl.multiple_of((g * 16 + k) * 16, 16)
            table_v[pl.ds(off, 16)] = q
            src = table_v.at[pl.ds(pl.multiple_of(off + (k & 8), 8), 8)]
            colw = pl.multiple_of(base + g * 16 + (k & ~7), 8)
            pltpu.async_copy(src, out_hbm.at[ck, pl.ds(colw, 8)], sem)

    pltpu.make_async_copy(tgt_hbm.at[pl.ds(0, 4096)], drain_v, sem).wait()


_sc_mesh = plsc.VectorSubcoreMesh(core_axis_name="c", subcore_axis_name="s")

_sc_ones = _pl_mpmd._mpmd_map(
    [(_sc_mesh, _ones_body)],
    jax.ShapeDtypeStruct((C, B), jnp.float32),
    input_output_aliases={1: 0},
    scratch_types=[
        pltpu.VMEM((RPW,), jnp.int32),
        pltpu.VMEM((TBL,), jnp.float32),
        pltpu.VMEM((4096,), jnp.int32),
        pltpu.SemaphoreType.DMA,
    ],
    compiler_params=pltpu.CompilerParams(needs_layout_passes=False),
    interpret=False,
    debug=False,
    cost_estimate=None,
    name="sc_one_hot_scatter",
    metadata=None,
)


def kernel(target):
    tgt = target.astype(jnp.int32)
    return _sc_ones(tgt, _zero_fill(tgt)).T

# --- scband reference (transcript-rebuilt; emitter-appended) ---
"""Pipeline reference for scband-one-hot-67207648248391 (READ-ONLY COPY).

The authoritative reference and input builder live on the scoring server;
editing this copy changes nothing except your own understanding.
"""

import jax, jax.numpy as jnp
import numpy as np

NUM_CLASSES = 1000

def setup_inputs(seed: int = 0) -> dict:
    key = jax.random.key(seed)
    target = jax.random.randint(key, (16384,), 0, NUM_CLASSES, dtype=jnp.int64 if jax.config.jax_enable_x64 else jnp.int32)
    return {"target": target}

def reference(target) -> jnp.ndarray:
    # Faithful translation of torch.nn.functional.one_hot(target, num_classes).float()
    out = jax.nn.one_hot(target, NUM_CLASSES, dtype=jnp.float32)
    return out

if __name__ == "__main__":
    import jax
    _d = setup_inputs()
    print(jax.jit(kernel)(*tuple(_d.values())))

</pallas_src>

<mosaic_0001>
#map = affine_map<(d0, d1) -> (0)>
#map1 = affine_map<(d0, d1) -> (0, 0)>
module attributes {stable_mosaic.version = 14 : i64} {
  func.func @sc_one_hot_scatter(%arg0: i32, %arg1: i32, %arg2: memref<16384xi32, #tpu.memory_space<hbm>>, %arg3: memref<1000x16384xf32, #tpu.memory_space<hbm>>, %arg4: memref<1000x16384xf32, #tpu.memory_space<hbm>>, %arg5: memref<512xi32, #tpu.memory_space<vmem>>, %arg6: memref<8192xf32, #tpu.memory_space<vmem>>, %arg7: memref<4096xi32, #tpu.memory_space<vmem>>, %arg8: memref<!tpu.dma_semaphore, #tpu.memory_space<semaphore_mem>>) attributes {dimension_semantics = [#tpu.dimension_semantics<core_parallel>, #tpu.dimension_semantics<subcore_parallel>], iteration_bounds = array<i64: 2, 16>, scalar_prefetch = 0 : i64, scratch_operands = 4 : i64, tpu.core_type = #tpu.core_type<sc_vector_subcore>, window_params = [{transform_indices = #map}, {transform_indices = #map1}, {transform_indices = #map1}]} {
    %mul3A = arith.constant 2 : i32
    %mul3A_0 = arith.muli %arg1, %mul3A : i32
    %add3A = arith.addi %mul3A_0, %arg0 : i32
    %mul3A_1 = arith.constant 512 : i32
    %mul3A_2 = arith.muli %add3A, %mul3A_1 : i32
    %multiple_of3A = tpu.assume_multiple %mul3A_2, 8 : i32
    "tpu.region"() ({
      %run_scoped3A = tpu.sem_alloc : memref<!tpu.dma_semaphore, #tpu.memory_space<semaphore_mem>>
      %dma_start3A = tpu.memref_slice %arg2[%multiple_of3A] : memref<16384xi32, #tpu.memory_space<hbm>> -> memref<512xi32, #tpu.memory_space<hbm>>
      %dma_start3A_10 = tpu.memref_slice %arg2[%multiple_of3A] : memref<16384xi32, #tpu.memory_space<hbm>> -> memref<512xi32, #tpu.memory_space<hbm>>
      tpu.enqueue_dma source(%dma_start3A_10 : memref<512xi32, #tpu.memory_space<hbm>>) target(%arg5 : memref<512xi32, #tpu.memory_space<vmem>>) target_semaphore(%run_scoped3A : memref<!tpu.dma_semaphore, #tpu.memory_space<semaphore_mem>>)
      %dma_wait3A_11 = tpu.memref_slice %arg2[%multiple_of3A] : memref<16384xi32, #tpu.memory_space<hbm>> -> memref<512xi32, #tpu.memory_space<hbm>>
      %dma_wait3A_12 = tpu.memref_slice %arg2[%multiple_of3A] : memref<16384xi32, #tpu.memory_space<hbm>> -> memref<512xi32, #tpu.memory_space<hbm>>
      tpu.wait_dma2 semaphore(%run_scoped3A : memref<!tpu.dma_semaphore, #tpu.memory_space<semaphore_mem>>) src(%dma_wait3A_12 : memref<512xi32, #tpu.memory_space<hbm>>) dst(%arg5 : memref<512xi32, #tpu.memory_space<vmem>>)
      tpu.yield
    }) : () -> ()
    %scan3A = arith.constant 0 : i32
    %scan3A_3 = arith.constant 32 : i32
    %scan3A_4 = arith.addi %scan3A, %scan3A_3 : i32
    %scan3A_5 = arith.constant 1 : i32
    scf.for %scan3A_10 = %scan3A to %scan3A_4 step %scan3A_5  : i32 {
      %mul3A_11 = arith.constant 1 : i32
      %mul3A_12 = arith.muli %scan3A_10, %mul3A_11 : i32
      %add3A_13 = arith.constant 0 : i32
      %add3A_14 = arith.addi %add3A_13, %mul3A_12 : i32
      %mul3A_15 = arith.constant 16 : i32
      %mul3A_16 = arith.muli %add3A_14, %mul3A_15 : i32
      %multiple_of3A_17 = tpu.assume_multiple %mul3A_16, 16 : i32
      %get3A = arith.index_cast %multiple_of3A_17 : i32 to index
      %get3A_18 = tpu.vector_load %arg5[%get3A] {strides = array<i32>} : memref<512xi32, #tpu.memory_space<vmem>>, vector<16xi32>,
      %slice3A = vector.extract_strided_slice %get3A_18 {offsets = [0], sizes = [1], strides = [1]} : vector<16xi32> to vector<1xi32>
      %squeeze3A = vector.extract %slice3A[0] : i32 from vector<1xi32>
      %eq3A = vector.broadcast %squeeze3A : i32 to vector<16xi32>
      %eq3A_19 = arith.cmpi eq, %get3A_18, %eq3A : vector<16xi32>
      %jit3A = arith.constant 1.000000e+00 : f32
      %jit3A_20 = arith.constant 0.000000e+00 : f32
      %broadcast_in_dim3A = vector.broadcast %jit3A : f32 to vector<16xf32>
      %broadcast_in_dim3A_21 = vector.broadcast %jit3A_20 : f32 to vector<16xf32>
      %select_n3A = arith.select %eq3A_19, %broadcast_in_dim3A, %broadcast_in_dim3A_21 : vector<16xi1>, vector<16xf32>
      %mul3A_22 = arith.constant 16 : i32
      %mul3A_23 = arith.muli %add3A_14, %mul3A_22 : i32
      %add3A_24 = arith.constant 0 : i32
      %add3A_25 = arith.addi %mul3A_23, %add3A_24 : i32
      %mul3A_26 = arith.constant 16 : i32
      %mul3A_27 = arith.muli %add3A_25, %mul3A_26 : i32
      %multiple_of3A_28 = tpu.assume_multiple %mul3A_27, 16 : i32
      %swap3A = arith.index_cast %multiple_of3A_28 : i32 to index
      %swap3A_29 = tpu.vector_load %arg6[%swap3A] {strides = array<i32>} : memref<8192xf32, #tpu.memory_space<vmem>>, vector<16xf32>,
      tpu.vector_store %arg6[%swap3A], %select_n3A {strides = array<i32>} : memref<8192xf32, #tpu.memory_space<vmem>>, vector<16xf32>,
      %add3A_30 = arith.constant 0 : i32
      %add3A_31 = arith.addi %multiple_of3A_28, %add3A_30 : i32
      %multiple_of3A_32 = tpu.assume_multiple %add3A_31, 8 : i32
      %mul3A_33 = arith.constant 16 : i32
      %mul3A_34 = arith.muli %add3A_14, %mul3A_33 : i32
      %add3A_35 = arith.addi %multiple_of3A, %mul3A_34 : i32
      %add3A_36 = arith.constant 0 : i32
      %add3A_37 = arith.addi %add3A_35, %add3A_36 : i32
      %multiple_of3A_38 = tpu.assume_multiple %add3A_37, 8 : i32
      %dma_start3A = tpu.memref_slice %arg6[%multiple_of3A_32] : memref<8192xf32, #tpu.memory_space<vmem>> -> memref<8xf32, #tpu.memory_space<vmem>>
      %dma_start3A_39 = tpu.memref_slice %arg4[%squeeze3A, %multiple_of3A_38] : memref<1000x16384xf32, #tpu.memory_space<hbm>> -> memref<1x8xf32, #tpu.memory_space<hbm>>
      %dma_start3A_40 = tpu.memref_squeeze %dma_start3A_39 : memref<1x8xf32, #tpu.memory_space<hbm>> -> memref<8xf32, #tpu.memory_space<hbm>>
      %dma_start3A_41 = tpu.memref_slice %arg4[%squeeze3A, %multiple_of3A_38] : memref<1000x16384xf32, #tpu.memory_space<hbm>> -> memref<1x8xf32, #tpu.memory_space<hbm>>
      %dma_start3A_42 = tpu.memref_squeeze %dma_start3A_41 : memref<1x8xf32, #tpu.memory_space<hbm>> -> memref<8xf32, #tpu.memory_space<hbm>>
      %dma_start3A_43 = tpu.memref_slice %arg6[%multiple_of3A_32] : memref<8192xf32, #tpu.memory_space<vmem>> -> memref<8xf32, #tpu.memory_space<vmem>>
      tpu.enqueue_dma source(%dma_start3A_43 : memref<8xf32, #tpu.memory_space<vmem>>) target(%dma_start3A_42 : memref<8xf32, #tpu.memory_space<hbm>>) target_semaphore(%arg8 : memref<!tpu.dma_semaphore, #tpu.memory_space<semaphore_mem>>)
      %slice3A_44 = vector.extract_strided_slice %get3A_18 {offsets = [1], sizes = [1], strides = [1]} : vector<16xi32> to vector<1xi32>
      %squeeze3A_45 = vector.extract %slice3A_44[0] : i32 from vector<1xi32>
      %eq3A_46 = vector.broadcast %squeeze3A_45 : i32 to vector<16xi32>
      %eq3A_47 = arith.cmpi eq, %get3A_18, %eq3A_46 : vector<16xi32>
      %jit3A_48 = arith.constant 1.000000e+00 : f32
      %jit3A_49 = arith.constant 0.000000e+00 : f32
      %broadcast_in_dim3A_50 = vector.broadcast %jit3A_48 : f32 to vector<16xf32>
      %broadcast_in_dim3A_51 = vector.broadcast %jit3A_49 : f32 to vector<16xf32>
      %select_n3A_52 = arith.select %eq3A_47, %broadcast_in_dim3A_50, %broadcast_in_dim3A_51 : vector<16xi1>, vector<16xf32>
      %mul3A_53 = arith.constant 16 : i32
      %mul3A_54 = arith.muli %add3A_14, %mul3A_53 : i32
      %add3A_55 = arith.constant 1 : i32
      %add3A_56 = arith.addi %mul3A_54, %add3A_55 : i32
      %mul3A_57 = arith.constant 16 : i32
      %mul3A_58 = arith.muli %add3A_56, %mul3A_57 : i32
      %multiple_of3A_59 = tpu.assume_multiple %mul3A_58, 16 : i32
      %swap3A_60 = arith.index_cast %multiple_of3A_59 : i32 to index
      %swap3A_61 = tpu.vector_load %arg6[%swap3A_60] {strides = array<i32>} : memref<8192xf32, #tpu.memory_space<vmem>>, vector<16xf32>,
      tpu.vector_store %arg6[%swap3A_60], %select_n3A_52 {strides = array<i32>} : memref<8192xf32, #tpu.memory_space<vmem>>, vector<16xf32>,
      %add3A_62 = arith.constant 0 : i32
      %add3A_63 = arith.addi %multiple_of3A_59, %add3A_62 : i32
      %multiple_of3A_64 = tpu.assume_multiple %add3A_63, 8 : i32
      %mul3A_65 = arith.constant 16 : i32
      %mul3A_66 = arith.muli %add3A_14, %mul3A_65 : i32
      %add3A_67 = arith.addi %multiple_of3A, %mul3A_66 : i32
      %add3A_68 = arith.constant 0 : i32
      %add3A_69 = arith.addi %add3A_67, %add3A_68 : i32
      %multiple_of3A_70 = tpu.assume_multiple %add3A_69, 8 : i32
      %dma_start3A_71 = tpu.memref_slice %arg6[%multiple_of3A_64] : memref<8192xf32, #tpu.memory_space<vmem>> -> memref<8xf32, #tpu.memory_space<vmem>>
      %dma_start3A_72 = tpu.memref_slice %arg4[%squeeze3A_45, %multiple_of3A_70] : memref<1000x16384xf32, #tpu.memory_space<hbm>> -> memref<1x8xf32, #tpu.memory_space<hbm>>
      %dma_start3A_73 = tpu.memref_squeeze %dma_start3A_72 : memref<1x8xf32, #tpu.memory_space<hbm>> -> memref<8xf32, #tpu.memory_space<hbm>>
      %dma_start3A_74 = tpu.memref_slice %arg4[%squeeze3A_45, %multiple_of3A_70] : memref<1000x16384xf32, #tpu.memory_space<hbm>> -> memref<1x8xf32, #tpu.memory_space<hbm>>
      %dma_start3A_75 = tpu.memref_squeeze %dma_start3A_74 : memref<1x8xf32, #tpu.memory_space<hbm>> -> memref<8xf32, #tpu.memory_space<hbm>>
      %dma_start3A_76 = tpu.memref_slice %arg6[%multiple_of3A_64] : memref<8192xf32, #tpu.memory_space<vmem>> -> memref<8xf32, #tpu.memory_space<vmem>>
      tpu.enqueue_dma source(%dma_start3A_76 : memref<8xf32, #tpu.memory_space<vmem>>) target(%dma_start3A_75 : memref<8xf32, #tpu.memory_space<hbm>>) target_semaphore(%arg8 : memref<!tpu.dma_semaphore, #tpu.memory_space<semaphore_mem>>)
      %slice3A_77 = vector.extract_strided_slice %get3A_18 {offsets = [2], sizes = [1], strides = [1]} : vector<16xi32> to vector<1xi32>
      %squeeze3A_78 = vector.extract %slice3A_77[0] : i32 from vector<1xi32>
      %eq3A_79 = vector.broadcast %squeeze3A_78 : i32 to vector<16xi32>
      %eq3A_80 = arith.cmpi eq, %get3A_18, %eq3A_79 : vector<16xi32>
      %jit3A_81 = arith.constant 1.000000e+00 : f32
      %jit3A_82 = arith.constant 0.000000e+00 : f32
      %broadcast_in_dim3A_83 = vector.broadcast %jit3A_81 : f32 to vector<16xf32>
      %broadcast_in_dim3A_84 = vector.broadcast %jit3A_82 : f32 to vector<16xf32>
      %select_n3A_85 = arith.select %eq3A_80, %broadcast_in_dim3A_83, %broadcast_in_dim3A_84 : vector<16xi1>, vector<16xf32>
      %mul3A_86 = arith.constant 16 : i32
      %mul3A_87 = arith.muli %add3A_14, %mul3A_86 : i32
      %add3A_88 = arith.constant 2 : i32
      %add3A_89 = arith.addi %mul3A_87, %add3A_88 : i32
      %mul3A_90 = arith.constant 16 : i32
      %mul3A_91 = arith.muli %add3A_89, %mul3A_90 : i32
      %multiple_of3A_92 = tpu.assume_multiple %mul3A_91, 16 : i32
      %swap3A_93 = arith.index_cast %multiple_of3A_92 : i32 to index
      %swap3A_94 = tpu.vector_load %arg6[%swap3A_93] {strides = array<i32>} : memref<8192xf32, #tpu.memory_space<vmem>>, vector<16xf32>,
      tpu.vector_store %arg6[%swap3A_93], %select_n3A_85 {strides = array<i32>} : memref<8192xf32, #tpu.memory_space<vmem>>, vector<16xf32>,
      %add3A_95 = arith.constant 0 : i32
      %add3A_96 = arith.addi %multiple_of3A_92, %add3A_95 : i32
      %multiple_of3A_97 = tpu.assume_multiple %add3A_96, 8 : i32
      %mul3A_98 = arith.constant 16 : i32
      %mul3A_99 = arith.muli %add3A_14, %mul3A_98 : i32
      %add3A_100 = arith.addi %multiple_of3A, %mul3A_99 : i32
      %add3A_101 = arith.constant 0 : i32
      %add3A_102 = arith.addi %add3A_100, %add3A_101 : i32
      %multiple_of3A_103 = tpu.assume_multiple %add3A_102, 8 : i32
      %dma_start3A_104 = tpu.memref_slice %arg6[%multiple_of3A_97] : memref<8192xf32, #tpu.memory_space<vmem>> -> memref<8xf32, #tpu.memory_space<vmem>>
      %dma_start3A_105 = tpu.memref_slice %arg4[%squeeze3A_78, %multiple_of3A_103] : memref<1000x16384xf32, #tpu.memory_space<hbm>> -> memref<1x8xf32, #tpu.memory_space<hbm>>
      %dma_start3A_106 = tpu.memref_squeeze %dma_start3A_105 : memref<1x8xf32, #tpu.memory_space<hbm>> -> memref<8xf32, #tpu.memory_space<hbm>>
      %dma_start3A_107 = tpu.memref_slice %arg4[%squeeze3A_78, %multiple_of3A_103] : memref<1000x16384xf32, #tpu.memory_space<hbm>> -> memref<1x8xf32, #tpu.memory_space<hbm>>
      %dma_start3A_108 = tpu.memref_squeeze %dma_start3A_107 : memref<1x8xf32, #tpu.memory_space<hbm>> -> memref<8xf32, #tpu.memory_space<hbm>>
      %dma_start3A_109 = tpu.memref_slice %arg6[%multiple_of3A_97] : memref<8192xf32, #tpu.memory_space<vmem>> -> memref<8xf32, #tpu.memory_space<vmem>>
      tpu.enqueue_dma source(%dma_start3A_109 : memref<8xf32, #tpu.memory_space<vmem>>) target(%dma_start3A_108 : memref<8xf32, #tpu.memory_space<hbm>>) target_semaphore(%arg8 : memref<!tpu.dma_semaphore, #tpu.memory_space<semaphore_mem>>)
      %slice3A_110 = vector.extract_strided_slice %get3A_18 {offsets = [3], sizes = [1], strides = [1]} : vector<16xi32> to vector<1xi32>
      %squeeze3A_111 = vector.extract %slice3A_110[0] : i32 from vector<1xi32>
      %eq3A_112 = vector.broadcast %squeeze3A_111 : i32 to vector<16xi32>
      %eq3A_113 = arith.cmpi eq, %get3A_18, %eq3A_112 : vector<16xi32>
      %jit3A_114 = arith.constant 1.000000e+00 : f32
      %jit3A_115 = arith.constant 0.000000e+00 : f32
      %broadcast_in_dim3A_116 = vector.broadcast %jit3A_114 : f32 to vector<16xf32>
      %broadcast_in_dim3A_117 = vector.broadcast %jit3A_115 : f32 to vector<16xf32>
      %select_n3A_118 = arith.select %eq3A_113, %broadcast_in_dim3A_116, %broadcast_in_dim3A_117 : vector<16xi1>, vector<16xf32>
      %mul3A_119 = arith.constant 16 : i32
      %mul3A_120 = arith.muli %add3A_14, %mul3A_119 : i32
      %add3A_121 = arith.constant 3 : i32
      %add3A_122 = arith.addi %mul3A_120, %add3A_121 : i32
      %mul3A_123 = arith.constant 16 : i32
      %mul3A_124 = arith.muli %add3A_122, %mul3A_123 : i32
      %multiple_of3A_125 = tpu.assume_multiple %mul3A_124, 16 : i32
      %swap3A_126 = arith.index_cast %multiple_of3A_125 : i32 to index
      %swap3A_127 = tpu.vector_load %arg6[%swap3A_126] {strides = array<i32>} : memref<8192xf32, #tpu.memory_space<vmem>>, vector<16xf32>,
      tpu.vector_store %arg6[%swap3A_126], %select_n3A_118 {strides = array<i32>} : memref<8192xf32, #tpu.memory_space<vmem>>, vector<16xf32>,
      %add3A_128 = arith.constant 0 : i32
      %add3A_129 = arith.addi %multiple_of3A_125, %add3A_128 : i32
      %multiple_of3A_130 = tpu.assume_multiple %add3A_129, 8 : i32
      %mul3A_131 = arith.constant 16 : i32
      %mul3A_132 = arith.muli %add3A_14, %mul3A_131 : i32
      %add3A_133 = arith.addi %multiple_of3A, %mul3A_132 : i32
      %add3A_134 = arith.constant 0 : i32
      %add3A_135 = arith.addi %add3A_133, %add3A_134 : i32
      %multiple_of3A_136 = tpu.assume_multiple %add3A_135, 8 : i32
      %dma_start3A_137 = tpu.memref_slice %arg6[%multiple_of3A_130] : memref<8192xf32, #tpu.memory_space<vmem>> -> memref<8xf32, #tpu.memory_space<vmem>>
      %dma_start3A_138 = tpu.memref_slice %arg4[%squeeze3A_111, %multiple_of3A_136] : memref<1000x16384xf32, #tpu.memory_space<hbm>> -> memref<1x8xf32, #tpu.memory_space<hbm>>
      %dma_start3A_139 = tpu.memref_squeeze %dma_start3A_138 : memref<1x8xf32, #tpu.memory_space<hbm>> -> memref<8xf32, #tpu.memory_space<hbm>>
      %dma_start3A_140 = tpu.memref_slice %arg4[%squeeze3A_111, %multiple_of3A_136] : memref<1000x16384xf32, #tpu.memory_space<hbm>> -> memref<1x8xf32, #tpu.memory_space<hbm>>
      %dma_start3A_141 = tpu.memref_squeeze %dma_start3A_140 : memref<1x8xf32, #tpu.memory_space<hbm>> -> memref<8xf32, #tpu.memory_space<hbm>>
      %dma_start3A_142 = tpu.memref_slice %arg6[%multiple_of3A_130] : memref<8192xf32, #tpu.memory_space<vmem>> -> memref<8xf32, #tpu.memory_space<vmem>>
      tpu.enqueue_dma source(%dma_start3A_142 : memref<8xf32, #tpu.memory_space<vmem>>) target(%dma_start3A_141 : memref<8xf32, #tpu.memory_space<hbm>>) target_semaphore(%arg8 : memref<!tpu.dma_semaphore, #tpu.memory_space<semaphore_mem>>)
      %slice3A_143 = vector.extract_strided_slice %get3A_18 {offsets = [4], sizes = [1], strides = [1]} : vector<16xi32> to vector<1xi32>
      %squeeze3A_144 = vector.extract %slice3A_143[0] : i32 from vector<1xi32>
      %eq3A_145 = vector.broadcast %squeeze3A_144 : i32 to vector<16xi32>
      %eq3A_146 = arith.cmpi eq, %get3A_18, %eq3A_145 : vector<16xi32>
      %jit3A_147 = arith.constant 1.000000e+00 : f32
      %jit3A_148 = arith.constant 0.000000e+00 : f32
      %broadcast_in_dim3A_149 = vector.broadcast %jit3A_147 : f32 to vector<16xf32>
      %broadcast_in_dim3A_150 = vector.broadcast %jit3A_148 : f32 to vector<16xf32>
      %select_n3A_151 = arith.select %eq3A_146, %broadcast_in_dim3A_149, %broadcast_in_dim3A_150 : vector<16xi1>, vector<16xf32>
      %mul3A_152 = arith.constant 16 : i32
      %mul3A_153 = arith.muli %add3A_14, %mul3A_152 : i32
      %add3A_154 = arith.constant 4 : i32
      %add3A_155 = arith.addi %mul3A_153, %add3A_154 : i32
      %mul3A_156 = arith.constant 16 : i32
      %mul3A_157 = arith.muli %add3A_155, %mul3A_156 : i32
      %multiple_of3A_158 = tpu.assume_multiple %mul3A_157, 16 : i32
      %swap3A_159 = arith.index_cast %multiple_of3A_158 : i32 to index
      %swap3A_160 = tpu.vector_load %arg6[%swap3A_159] {strides = array<i32>} : memref<8192xf32, #tpu.memory_space<vmem>>, vector<16xf32>,
      tpu.vector_store %arg6[%swap3A_159], %select_n3A_151 {strides = array<i32>} : memref<8192xf32, #tpu.memory_space<vmem>>, vector<16xf32>,
      %add3A_161 = arith.constant 0 : i32
      %add3A_162 = arith.addi %multiple_of3A_158, %add3A_161 : i32
      %multiple_of3A_163 = tpu.assume_multiple %add3A_162, 8 : i32
      %mul3A_164 = arith.constant 16 : i32
      %mul3A_165 = arith.muli %add3A_14, %mul3A_164 : i32
      %add3A_166 = arith.addi %multiple_of3A, %mul3A_165 : i32
      %add3A_167 = arith.constant 0 : i32
      %add3A_168 = arith.addi %add3A_166, %add3A_167 : i32
      %multiple_of3A_169 = tpu.assume_multiple %add3A_168, 8 : i32
      %dma_start3A_170 = tpu.memref_slice %arg6[%multiple_of3A_163] : memref<8192xf32, #tpu.memory_space<vmem>> -> memref<8xf32, #tpu.memory_space<vmem>>
      %dma_start3A_171 = tpu.memref_slice %arg4[%squeeze3A_144, %multiple_of3A_169] : memref<1000x16384xf32, #tpu.memory_space<hbm>> -> memref<1x8xf32, #tpu.memory_space<hbm>>
      %dma_start3A_172 = tpu.memref_squeeze %dma_start3A_171 : memref<1x8xf32, #tpu.memory_space<hbm>> -> memref<8xf32, #tpu.memory_space<hbm>>
      %dma_start3A_173 = tpu.memref_slice %arg4[%squeeze3A_144, %multiple_of3A_169] : memref<1000x16384xf32, #tpu.memory_space<hbm>> -> memref<1x8xf32, #tpu.memory_space<hbm>>
      %dma_start3A_174 = tpu.memref_squeeze %dma_start3A_173 : memref<1x8xf32, #tpu.memory_space<hbm>> -> memref<8xf32, #tpu.memory_space<hbm>>
      %dma_start3A_175 = tpu.memref_slice %arg6[%multiple_of3A_163] : memref<8192xf32, #tpu.memory_space<vmem>> -> memref<8xf32, #tpu.memory_space<vmem>>
      tpu.enqueue_dma source(%dma_start3A_175 : memref<8xf32, #tpu.memory_space<vmem>>) target(%dma_start3A_174 : memref<8xf32, #tpu.memory_space<hbm>>) target_semaphore(%arg8 : memref<!tpu.dma_semaphore, #tpu.memory_space<semaphore_mem>>)
      %slice3A_176 = vector.extract_strided_slice %get3A_18 {offsets = [5], sizes = [1], strides = [1]} : vector<16xi32> to vector<1xi32>
      %squeeze3A_177 = vector.extract %slice3A_176[0] : i32 from vector<1xi32>
      %eq3A_178 = vector.broadcast %squeeze3A_177 : i32 to vector<16xi32>
      %eq3A_179 = arith.cmpi eq, %get3A_18, %eq3A_178 : vector<16xi32>
      %jit3A_180 = arith.constant 1.000000e+00 : f32
      %jit3A_181 = arith.constant 0.000000e+00 : f32
      %broadcast_in_dim3A_182 = vector.broadcast %jit3A_180 : f32 to vector<16xf32>
      %broadcast_in_dim3A_183 = vector.broadcast %jit3A_181 : f32 to vector<16xf32>
      %select_n3A_184 = arith.select %eq3A_179, %broadcast_in_dim3A_182, %broadcast_in_dim3A_183 : vector<16xi1>, vector<16xf32>
      %mul3A_185 = arith.constant 16 : i32
      %mul3A_186 = arith.muli %add3A_14, %mul3A_185 : i32
      %add3A_187 = arith.constant 5 : i32
      %add3A_188 = arith.addi %mul3A_186, %add3A_187 : i32
      %mul3A_189 = arith.constant 16 : i32
      %mul3A_190 = arith.muli %add3A_188, %mul3A_189 : i32
      %multiple_of3A_191 = tpu.assume_multiple %mul3A_190, 16 : i32
      %swap3A_192 = arith.index_cast %multiple_of3A_191 : i32 to index
      %swap3A_193 = tpu.vector_load %arg6[%swap3A_192] {strides = array<i32>} : memref<8192xf32, #tpu.memory_space<vmem>>, vector<16xf32>,
      tpu.vector_store %arg6[%swap3A_192], %select_n3A_184 {strides = array<i32>} : memref<8192xf32, #tpu.memory_space<vmem>>, vector<16xf32>,
      %add3A_194 = arith.constant 0 : i32
      %add3A_195 = arith.addi %multiple_of3A_191, %add3A_194 : i32
      %multiple_of3A_196 = tpu.assume_multiple %add3A_195, 8 : i32
      %mul3A_197 = arith.constant 16 : i32
      %mul3A_198 = arith.muli %add3A_14, %mul3A_197 : i32
      %add3A_199 = arith.addi %multiple_of3A, %mul3A_198 : i32
      %add3A_200 = arith.constant 0 : i32
      %add3A_201 = arith.addi %add3A_199, %add3A_200 : i32
      %multiple_of3A_202 = tpu.assume_multiple %add3A_201, 8 : i32
      %dma_start3A_203 = tpu.memref_slice %arg6[%multiple_of3A_196] : memref<8192xf32, #tpu.memory_space<vmem>> -> memref<8xf32, #tpu.memory_space<vmem>>
      %dma_start3A_204 = tpu.memref_slice %arg4[%squeeze3A_177, %multiple_of3A_202] : memref<1000x16384xf32, #tpu.memory_space<hbm>> -> memref<1x8xf32, #tpu.memory_space<hbm>>
      %dma_start3A_205 = tpu.memref_squeeze %dma_start3A_204 : memref<1x8xf32, #tpu.memory_space<hbm>> -> memref<8xf32, #tpu.memory_space<hbm>>
      %dma_start3A_206 = tpu.memref_slice %arg4[%squeeze3A_177, %multiple_of3A_202] : memref<1000x16384xf32, #tpu.memory_space<hbm>> -> memref<1x8xf32, #tpu.memory_space<hbm>>
      %dma_start3A_207 = tpu.memref_squeeze %dma_start3A_206 : memref<1x8xf32, #tpu.memory_space<hbm>> -> memref<8xf32, #tpu.memory_space<hbm>>
      %dma_start3A_208 = tpu.memref_slice %arg6[%multiple_of3A_196] : memref<8192xf32, #tpu.memory_space<vmem>> -> memref<8xf32, #tpu.memory_space<vmem>>
      tpu.enqueue_dma source(%dma_start3A_208 : memref<8xf32, #tpu.memory_space<vmem>>) target(%dma_start3A_207 : memref<8xf32, #tpu.memory_space<hbm>>) target_semaphore(%arg8 : memref<!tpu.dma_semaphore, #tpu.memory_space<semaphore_mem>>)
      %slice3A_209 = vector.extract_strided_slice %get3A_18 {offsets = [6], sizes = [1], strides = [1]} : vector<16xi32> to vector<1xi32>
      %squeeze3A_210 = vector.extract %slice3A_209[0] : i32 from vector<1xi32>
      %eq3A_211 = vector.broadcast %squeeze3A_210 : i32 to vector<16xi32>
      %eq3A_212 = arith.cmpi eq, %get3A_18, %eq3A_211 : vector<16xi32>
      %jit3A_213 = arith.constant 1.000000e+00 : f32
      %jit3A_214 = arith.constant 0.000000e+00 : f32
      %broadcast_in_dim3A_215 = vector.broadcast %jit3A_213 : f32 to vector<16xf32>
      %broadcast_in_dim3A_216 = vector.broadcast %jit3A_214 : f32 to vector<16xf32>
      %select_n3A_217 = arith.select %eq3A_212, %broadcast_in_dim3A_215, %broadcast_in_dim3A_216 : vector<16xi1>, vector<16xf32>
      %mul3A_218 = arith.constant 16 : i32
      %mul3A_219 = arith.muli %add3A_14, %mul3A_218 : i32
      %add3A_220 = arith.constant 6 : i32
      %add3A_221 = arith.addi %mul3A_219, %add3A_220 : i32
      %mul3A_222 = arith.constant 16 : i32
      %mul3A_223 = arith.muli %add3A_221, %mul3A_222 : i32
      %multiple_of3A_224 = tpu.assume_multiple %mul3A_223, 16 : i32
      %swap3A_225 = arith.index_cast %multiple_of3A_224 : i32 to index
      %swap3A_226 = tpu.vector_load %arg6[%swap3A_225] {strides = array<i32>} : memref<8192xf32, #tpu.memory_space<vmem>>, vector<16xf32>,
      tpu.vector_store %arg6[%swap3A_225], %select_n3A_217 {strides = array<i32>} : memref<8192xf32, #tpu.memory_space<vmem>>, vector<16xf32>,
      %add3A_227 = arith.constant 0 : i32
      %add3A_228 = arith.addi %multiple_of3A_224, %add3A_227 : i32
      %multiple_of3A_229 = tpu.assume_multiple %add3A_228, 8 : i32
      %mul3A_230 = arith.constant 16 : i32
      %mul3A_231 = arith.muli %add3A_14, %mul3A_230 : i32
      %add3A_232 = arith.addi %multiple_of3A, %mul3A_231 : i32
      %add3A_233 = arith.constant 0 : i32
      %add3A_234 = arith.addi %add3A_232, %add3A_233 : i32
      %multiple_of3A_235 = tpu.assume_multiple %add3A_234, 8 : i32
      %dma_start3A_236 = tpu.memref_slice %arg6[%multiple_of3A_229] : memref<8192xf32, #tpu.memory_space<vmem>> -> memref<8xf32, #tpu.memory_space<vmem>>
      %dma_start3A_237 = tpu.memref_slice %arg4[%squeeze3A_210, %multiple_of3A_235] : memref<1000x16384xf32, #tpu.memory_space<hbm>> -> memref<1x8xf32, #tpu.memory_space<hbm>>
      %dma_start3A_238 = tpu.memref_squeeze %dma_start3A_237 : memref<1x8xf32, #tpu.memory_space<hbm>> -> memref<8xf32, #tpu.memory_space<hbm>>
      %dma_start3A_239 = tpu.memref_slice %arg4[%squeeze3A_210, %multiple_of3A_235] : memref<1000x16384xf32, #tpu.memory_space<hbm>> -> memref<1x8xf32, #tpu.memory_space<hbm>>
      %dma_start3A_240 = tpu.memref_squeeze %dma_start3A_239 : memref<1x8xf32, #tpu.memory_space<hbm>> -> memref<8xf32, #tpu.memory_space<hbm>>
      %dma_start3A_241 = tpu.memref_slice %arg6[%multiple_of3A_229] : memref<8192xf32, #tpu.memory_space<vmem>> -> memref<8xf32, #tpu.memory_space<vmem>>
      tpu.enqueue_dma source(%dma_start3A_241 : memref<8xf32, #tpu.memory_space<vmem>>) target(%dma_start3A_240 : memref<8xf32, #tpu.memory_space<hbm>>) target_semaphore(%arg8 : memref<!tpu.dma_semaphore, #tpu.memory_space<semaphore_mem>>)
      %slice3A_242 = vector.extract_strided_slice %get3A_18 {offsets = [7], sizes = [1], strides = [1]} : vector<16xi32> to vector<1xi32>
      %squeeze3A_243 = vector.extract %slice3A_242[0] : i32 from vector<1xi32>
      %eq3A_244 = vector.broadcast %squeeze3A_243 : i32 to vector<16xi32>
      %eq3A_245 = arith.cmpi eq, %get3A_18, %eq3A_244 : vector<16xi32>
      %jit3A_246 = arith.constant 1.000000e+00 : f32
      %jit3A_247 = arith.constant 0.000000e+00 : f32
      %broadcast_in_dim3A_248 = vector.broadcast %jit3A_246 : f32 to vector<16xf32>
      %broadcast_in_dim3A_249 = vector.broadcast %jit3A_247 : f32 to vector<16xf32>
      %select_n3A_250 = arith.select %eq3A_245, %broadcast_in_dim3A_248, %broadcast_in_dim3A_249 : vector<16xi1>, vector<16xf32>
      %mul3A_251 = arith.constant 16 : i32
      %mul3A_252 = arith.muli %add3A_14, %mul3A_251 : i32
      %add3A_253 = arith.constant 7 : i32
      %add3A_254 = arith.addi %mul3A_252, %add3A_253 : i32
      %mul3A_255 = arith.constant 16 : i32
      %mul3A_256 = arith.muli %add3A_254, %mul3A_255 : i32
      %multiple_of3A_257 = tpu.assume_multiple %mul3A_256, 16 : i32
      %swap3A_258 = arith.index_cast %multiple_of3A_257 : i32 to index
      %swap3A_259 = tpu.vector_load %arg6[%swap3A_258] {strides = array<i32>} : memref<8192xf32, #tpu.memory_space<vmem>>, vector<16xf32>,
      tpu.vector_store %arg6[%swap3A_258], %select_n3A_250 {strides = array<i32>} : memref<8192xf32, #tpu.memory_space<vmem>>, vector<16xf32>,
      %add3A_260 = arith.constant 0 : i32
      %add3A_261 = arith.addi %multiple_of3A_257, %add3A_260 : i32
      %multiple_of3A_262 = tpu.assume_multiple %add3A_261, 8 : i32
      %mul3A_263 = arith.constant 16 : i32
      %mul3A_264 = arith.muli %add3A_14, %mul3A_263 : i32
      %add3A_265 = arith.addi %multiple_of3A, %mul3A_264 : i32
      %add3A_266 = arith.constant 0 : i32
      %add3A_267 = arith.addi %add3A_265, %add3A_266 : i32
      %multiple_of3A_268 = tpu.assume_multiple %add3A_267, 8 : i32
      %dma_start3A_269 = tpu.memref_slice %arg6[%multiple_of3A_262] : memref<8192xf32, #tpu.memory_space<vmem>> -> memref<8xf32, #tpu.memory_space<vmem>>
      %dma_start3A_270 = tpu.memref_slice %arg4[%squeeze3A_243, %multiple_of3A_268] : memref<1000x16384xf32, #tpu.memory_space<hbm>> -> memref<1x8xf32, #tpu.memory_space<hbm>>
      %dma_start3A_271 = tpu.memref_squeeze %dma_start3A_270 : memref<1x8xf32, #tpu.memory_space<hbm>> -> memref<8xf32, #tpu.memory_space<hbm>>
      %dma_start3A_272 = tpu.memref_slice %arg4[%squeeze3A_243, %multiple_of3A_268] : memref<1000x16384xf32, #tpu.memory_space<hbm>> -> memref<1x8xf32, #tpu.memory_space<hbm>>
      %dma_start3A_273 = tpu.memref_squeeze %dma_start3A_272 : memref<1x8xf32, #tpu.memory_space<hbm>> -> memref<8xf32, #tpu.memory_space<hbm>>
      %dma_start3A_274 = tpu.memref_slice %arg6[%multiple_of3A_262] : memref<8192xf32, #tpu.memory_space<vmem>> -> memref<8xf32, #tpu.memory_space<vmem>>
      tpu.enqueue_dma source(%dma_start3A_274 : memref<8xf32, #tpu.memory_space<vmem>>) target(%dma_start3A_273 : memref<8xf32, #tpu.memory_space<hbm>>) target_semaphore(%arg8 : memref<!tpu.dma_semaphore, #tpu.memory_space<semaphore_mem>>)
      %slice3A_275 = vector.extract_strided_slice %get3A_18 {offsets = [8], sizes = [1], strides = [1]} : vector<16xi32> to vector<1xi32>
      %squeeze3A_276 = vector.extract %slice3A_275[0] : i32 from vector<1xi32>
      %eq3A_277 = vector.broadcast %squeeze3A_276 : i32 to vector<16xi32>
      %eq3A_278 = arith.cmpi eq, %get3A_18, %eq3A_277 : vector<16xi32>
      %jit3A_279 = arith.constant 1.000000e+00 : f32
      %jit3A_280 = arith.constant 0.000000e+00 : f32
      %broadcast_in_dim3A_281 = vector.broadcast %jit3A_279 : f32 to vector<16xf32>
      %broadcast_in_dim3A_282 = vector.broadcast %jit3A_280 : f32 to vector<16xf32>
      %select_n3A_283 = arith.select %eq3A_278, %broadcast_in_dim3A_281, %broadcast_in_dim3A_282 : vector<16xi1>, vector<16xf32>
      %mul3A_284 = arith.constant 16 : i32
      %mul3A_285 = arith.muli %add3A_14, %mul3A_284 : i32
      %add3A_286 = arith.constant 8 : i32
      %add3A_287 = arith.addi %mul3A_285, %add3A_286 : i32
      %mul3A_288 = arith.constant 16 : i32
      %mul3A_289 = arith.muli %add3A_287, %mul3A_288 : i32
      %multiple_of3A_290 = tpu.assume_multiple %mul3A_289, 16 : i32
      %swap3A_291 = arith.index_cast %multiple_of3A_290 : i32 to index
      %swap3A_292 = tpu.vector_load %arg6[%swap3A_291] {strides = array<i32>} : memref<8192xf32, #tpu.memory_space<vmem>>, vector<16xf32>,
      tpu.vector_store %arg6[%swap3A_291], %select_n3A_283 {strides = array<i32>} : memref<8192xf32, #tpu.memory_space<vmem>>, vector<16xf32>,
      %add3A_293 = arith.constant 8 : i32
      %add3A_294 = arith.addi %multiple_of3A_290, %add3A_293 : i32
      %multiple_of3A_295 = tpu.assume_multiple %add3A_294, 8 : i32
      %mul3A_296 = arith.constant 16 : i32
      %mul3A_297 = arith.muli %add3A_14, %mul3A_296 : i32
      %add3A_298 = arith.addi %multiple_of3A, %mul3A_297 : i32
      %add3A_299 = arith.constant 8 : i32
      %add3A_300 = arith.addi %add3A_298, %add3A_299 : i32
      %multiple_of3A_301 = tpu.assume_multiple %add3A_300, 8 : i32
      %dma_start3A_302 = tpu.memref_slice %arg6[%multiple_of3A_295] : memref<8192xf32, #tpu.memory_space<vmem>> -> memref<8xf32, #tpu.memory_space<vmem>>
      %dma_start3A_303 = tpu.memref_slice %arg4[%squeeze3A_276, %multiple_of3A_301] : memref<1000x16384xf32, #tpu.memory_space<hbm>> -> memref<1x8xf32, #tpu.memory_space<hbm>>
      %dma_start3A_304 = tpu.memref_squeeze %dma_start3A_303 : memref<1x8xf32, #tpu.memory_space<hbm>> -> memref<8xf32, #tpu.memory_space<hbm>>
      %dma_start3A_305 = tpu.memref_slice %arg4[%squeeze3A_276, %multiple_of3A_301] : memref<1000x16384xf32, #tpu.memory_space<hbm>> -> memref<1x8xf32, #tpu.memory_space<hbm>>
      %dma_start3A_306 = tpu.memref_squeeze %dma_start3A_305 : memref<1x8xf32, #tpu.memory_space<hbm>> -> memref<8xf32, #tpu.memory_space<hbm>>
      %dma_start3A_307 = tpu.memref_slice %arg6[%multiple_of3A_295] : memref<8192xf32, #tpu.memory_space<vmem>> -> memref<8xf32, #tpu.memory_space<vmem>>
      tpu.enqueue_dma source(%dma_start3A_307 : memref<8xf32, #tpu.memory_space<vmem>>) target(%dma_start3A_306 : memref<8xf32, #tpu.memory_space<hbm>>) target_semaphore(%arg8 : memref<!tpu.dma_semaphore, #tpu.memory_space<semaphore_mem>>)
      %slice3A_308 = vector.extract_strided_slice %get3A_18 {offsets = [9], sizes = [1], strides = [1]} : vector<16xi32> to vector<1xi32>
      %squeeze3A_309 = vector.extract %slice3A_308[0] : i32 from vector<1xi32>
      %eq3A_310 = vector.broadcast %squeeze3A_309 : i32 to vector<16xi32>
      %eq3A_311 = arith.cmpi eq, %get3A_18, %eq3A_310 : vector<16xi32>
      %jit3A_312 = arith.constant 1.000000e+00 : f32
      %jit3A_313 = arith.constant 0.000000e+00 : f32
      %broadcast_in_dim3A_314 = vector.broadcast %jit3A_312 : f32 to vector<16xf32>
      %broadcast_in_dim3A_315 = vector.broadcast %jit3A_313 : f32 to vector<16xf32>
      %select_n3A_316 = arith.select %eq3A_311, %broadcast_in_dim3A_314, %broadcast_in_dim3A_315 : vector<16xi1>, vector<16xf32>
      %mul3A_317 = arith.constant 16 : i32
      %mul3A_318 = arith.muli %add3A_14, %mul3A_317 : i32
      %add3A_319 = arith.constant 9 : i32
      %add3A_320 = arith.addi %mul3A_318, %add3A_319 : i32
      %mul3A_321 = arith.constant 16 : i32
      %mul3A_322 = arith.muli %add3A_320, %mul3A_321 : i32
      %multiple_of3A_323 = tpu.assume_multiple %mul3A_322, 16 : i32
      %swap3A_324 = arith.index_cast %multiple_of3A_323 : i32 to index
      %swap3A_325 = tpu.vector_load %arg6[%swap3A_324] {strides = array<i32>} : memref<8192xf32, #tpu.memory_space<vmem>>, vector<16xf32>,
      tpu.vector_store %arg6[%swap3A_324], %select_n3A_316 {strides = array<i32>} : memref<8192xf32, #tpu.memory_space<vmem>>, vector<16xf32>,
      %add3A_326 = arith.constant 8 : i32
      %add3A_327 = arith.addi %multiple_of3A_323, %add3A_326 : i32
      %multiple_of3A_328 = tpu.assume_multiple %add3A_327, 8 : i32
      %mul3A_329 = arith.constant 16 : i32
      %mul3A_330 = arith.muli %add3A_14, %mul3A_329 : i32
      %add3A_331 = arith.addi %multiple_of3A, %mul3A_330 : i32
      %add3A_332 = arith.constant 8 : i32
      %add3A_333 = arith.addi %add3A_331, %add3A_332 : i32
      %multiple_of3A_334 = tpu.assume_multiple %add3A_333, 8 : i32
      %dma_start3A_335 = tpu.memref_slice %arg6[%multiple_of3A_328] : memref<8192xf32, #tpu.memory_space<vmem>> -> memref<8xf32, #tpu.memory_space<vmem>>
      %dma_start3A_336 = tpu.memref_slice %arg4[%squeeze3A_309, %multiple_of3A_334] : memref<1000x16384xf32, #tpu.memory_space<hbm>> -> memref<1x8xf32, #tpu.memory_space<hbm>>
      %dma_start3A_337 = tpu.memref_squeeze %dma_start3A_336 : memref<1x8xf32, #tpu.memory_space<hbm>> -> memref<8xf32, #tpu.memory_space<hbm>>
      %dma_start3A_338 = tpu.memref_slice %arg4[%squeeze3A_309, %multiple_of3A_334] : memref<1000x16384xf32, #tpu.memory_space<hbm>> -> memref<1x8xf32, #tpu.memory_space<hbm>>
      %dma_start3A_339 = tpu.memref_squeeze %dma_start3A_338 : memref<1x8xf32, #tpu.memory_space<hbm>> -> memref<8xf32, #tpu.memory_space<hbm>>
      %dma_start3A_340 = tpu.memref_slice %arg6[%multiple_of3A_328] : memref<8192xf32, #tpu.memory_space<vmem>> -> memref<8xf32, #tpu.memory_space<vmem>>
      tpu.enqueue_dma source(%dma_start3A_340 : memref<8xf32, #tpu.memory_space<vmem>>) target(%dma_start3A_339 : memref<8xf32, #tpu.memory_space<hbm>>) target_semaphore(%arg8 : memref<!tpu.dma_semaphore, #tpu.memory_space<semaphore_mem>>)
      %slice3A_341 = vector.extract_strided_slice %get3A_18 {offsets = [10], sizes = [1], strides = [1]} : vector<16xi32> to vector<1xi32>
      %squeeze3A_342 = vector.extract %slice3A_341[0] : i32 from vector<1xi32>
      %eq3A_343 = vector.broadcast %squeeze3A_342 : i32 to vector<16xi32>
      %eq3A_344 = arith.cmpi eq, %get3A_18, %eq3A_343 : vector<16xi32>
      %jit3A_345 = arith.constant 1.000000e+00 : f32
      %jit3A_346 = arith.constant 0.000000e+00 : f32
      %broadcast_in_dim3A_347 = vector.broadcast %jit3A_345 : f32 to vector<16xf32>
      %broadcast_in_dim3A_348 = vector.broadcast %jit3A_346 : f32 to vector<16xf32>
      %select_n3A_349 = arith.select %eq3A_344, %broadcast_in_dim3A_347, %broadcast_in_dim3A_348 : vector<16xi1>, vector<16xf32>
      %mul3A_350 = arith.constant 16 : i32
      %mul3A_351 = arith.muli %add3A_14, %mul3A_350 : i32
      %add3A_352 = arith.constant 10 : i32
      %add3A_353 = arith.addi %mul3A_351, %add3A_352 : i32
      %mul3A_354 = arith.constant 16 : i32
      %mul3A_355 = arith.muli %add3A_353, %mul3A_354 : i32
      %multiple_of3A_356 = tpu.assume_multiple %mul3A_355, 16 : i32
      %swap3A_357 = arith.index_cast %multiple_of3A_356 : i32 to index
      %swap3A_358 = tpu.vector_load %arg6[%swap3A_357] {strides = array<i32>} : memref<8192xf32, #tpu.memory_space<vmem>>, vector<16xf32>,
      tpu.vector_store %arg6[%swap3A_357], %select_n3A_349 {strides = array<i32>} : memref<8192xf32, #tpu.memory_space<vmem>>, vector<16xf32>,
      %add3A_359 = arith.constant 8 : i32
      %add3A_360 = arith.addi %multiple_of3A_356, %add3A_359 : i32
      %multiple_of3A_361 = tpu.assume_multiple %add3A_360, 8 : i32
      %mul3A_362 = arith.constant 16 : i32
      %mul3A_363 = arith.muli %add3A_14, %mul3A_362 : i32
      %add3A_364 = arith.addi %multiple_of3A, %mul3A_363 : i32
      %add3A_365 = arith.constant 8 : i32
      %add3A_366 = arith.addi %add3A_364, %add3A_365 : i32
      %multiple_of3A_367 = tpu.assume_multiple %add3A_366, 8 : i32
      %dma_start3A_368 = tpu.memref_slice %arg6[%multiple_of3A_361] : memref<8192xf32, #tpu.memory_space<vmem>> -> memref<8xf32, #tpu.memory_space<vmem>>
      %dma_start3A_369 = tpu.memref_slice %arg4[%squeeze3A_342, %multiple_of3A_367] : memref<1000x16384xf32, #tpu.memory_space<hbm>> -> memref<1x8xf32, #tpu.memory_space<hbm>>
      %dma_start3A_370 = tpu.memref_squeeze %dma_start3A_369 : memref<1x8xf32, #tpu.memory_space<hbm>> -> memref<8xf32, #tpu.memory_space<hbm>>
      %dma_start3A_371 = tpu.memref_slice %arg4[%squeeze3A_342, %multiple_of3A_367] : memref<1000x16384xf32, #tpu.memory_space<hbm>> -> memref<1x8xf32, #tpu.memory_space<hbm>>
      %dma_start3A_372 = tpu.memref_squeeze %dma_start3A_371 : memref<1x8xf32, #tpu.memory_space<hbm>> -> memref<8xf32, #tpu.memory_space<hbm>>
      %dma_start3A_373 = tpu.memref_slice %arg6[%multiple_of3A_361] : memref<8192xf32, #tpu.memory_space<vmem>> -> memref<8xf32, #tpu.memory_space<vmem>>
      tpu.enqueue_dma source(%dma_start3A_373 : memref<8xf32, #tpu.memory_space<vmem>>) target(%dma_start3A_372 : memref<8xf32, #tpu.memory_space<hbm>>) target_semaphore(%arg8 : memref<!tpu.dma_semaphore, #tpu.memory_space<semaphore_mem>>)
      %slice3A_374 = vector.extract_strided_slice %get3A_18 {offsets = [11], sizes = [1], strides = [1]} : vector<16xi32> to vector<1xi32>
      %squeeze3A_375 = vector.extract %slice3A_374[0] : i32 from vector<1xi32>
      %eq3A_376 = vector.broadcast %squeeze3A_375 : i32 to vector<16xi32>
      %eq3A_377 = arith.cmpi eq, %get3A_18, %eq3A_376 : vector<16xi32>
      %jit3A_378 = arith.constant 1.000000e+00 : f32
      %jit3A_379 = arith.constant 0.000000e+00 : f32
      %broadcast_in_dim3A_380 = vector.broadcast %jit3A_378 : f32 to vector<16xf32>
      %broadcast_in_dim3A_381 = vector.broadcast %jit3A_379 : f32 to vector<16xf32>
      %select_n3A_382 = arith.select %eq3A_377, %broadcast_in_dim3A_380, %broadcast_in_dim3A_381 : vector<16xi1>, vector<16xf32>
      %mul3A_383 = arith.constant 16 : i32
      %mul3A_384 = arith.muli %add3A_14, %mul3A_383 : i32
      %add3A_385 = arith.constant 11 : i32
      %add3A_386 = arith.addi %mul3A_384, %add3A_385 : i32
      %mul3A_387 = arith.constant 16 : i32
      %mul3A_388 = arith.muli %add3A_386, %mul3A_387 : i32
      %multiple_of3A_389 = tpu.assume_multiple %mul3A_388, 16 : i32
      %swap3A_390 = arith.index_cast %multiple_of3A_389 : i32 to index
      %swap3A_391 = tpu.vector_load %arg6[%swap3A_390] {strides = array<i32>} : memref<8192xf32, #tpu.memory_space<vmem>>, vector<16xf32>,
      tpu.vector_store %arg6[%swap3A_390], %select_n3A_382 {strides = array<i32>} : memref<8192xf32, #tpu.memory_space<vmem>>, vector<16xf32>,
      %add3A_392 = arith.constant 8 : i32
      %add3A_393 = arith.addi %multiple_of3A_389, %add3A_392 : i32
      %multiple_of3A_394 = tpu.assume_multiple %add3A_393, 8 : i32
      %mul3A_395 = arith.constant 16 : i32
      %mul3A_396 = arith.muli %add3A_14, %mul3A_395 : i32
      %add3A_397 = arith.addi %multiple_of3A, %mul3A_396 : i32
      %add3A_398 = arith.constant 8 : i32
      %add3A_399 = arith.addi %add3A_397, %add3A_398 : i32
      %multiple_of3A_400 = tpu.assume_multiple %add3A_399, 8 : i32
      %dma_start3A_401 = tpu.memref_slice %arg6[%multiple_of3A_394] : memref<8192xf32, #tpu.memory_space<vmem>> -> memref<8xf32, #tpu.memory_space<vmem>>
      %dma_start3A_402 = tpu.memref_slice %arg4[%squeeze3A_375, %multiple_of3A_400] : memref<1000x16384xf32, #tpu.memory_space<hbm>> -> memref<1x8xf32, #tpu.memory_space<hbm>>
      %dma_start3A_403 = tpu.memref_squeeze %dma_start3A_402 : memref<1x8xf32, #tpu.memory_space<hbm>> -> memref<8xf32, #tpu.memory_space<hbm>>
      %dma_start3A_404 = tpu.memref_slice %arg4[%squeeze3A_375, %multiple_of3A_400] : memref<1000x16384xf32, #tpu.memory_space<hbm>> -> memref<1x8xf32, #tpu.memory_space<hbm>>
      %dma_start3A_405 = tpu.memref_squeeze %dma_start3A_404 : memref<1x8xf32, #tpu.memory_space<hbm>> -> memref<8xf32, #tpu.memory_space<hbm>>
      %dma_start3A_406 = tpu.memref_slice %arg6[%multiple_of3A_394] : memref<8192xf32, #tpu.memory_space<vmem>> -> memref<8xf32, #tpu.memory_space<vmem>>
      tpu.enqueue_dma source(%dma_start3A_406 : memref<8xf32, #tpu.memory_space<vmem>>) target(%dma_start3A_405 : memref<8xf32, #tpu.memory_space<hbm>>) target_semaphore(%arg8 : memref<!tpu.dma_semaphore, #tpu.memory_space<semaphore_mem>>)
      %slice3A_407 = vector.extract_strided_slice %get3A_18 {offsets = [12], sizes = [1], strides = [1]} : vector<16xi32> to vector<1xi32>
      %squeeze3A_408 = vector.extract %slice3A_407[0] : i32 from vector<1xi32>
      %eq3A_409 = vector.broadcast %squeeze3A_408 : i32 to vector<16xi32>
      %eq3A_410 = arith.cmpi eq, %get3A_18, %eq3A_409 : vector<16xi32>
      %jit3A_411 = arith.constant 1.000000e+00 : f32
      %jit3A_412 = arith.constant 0.000000e+00 : f32
      %broadcast_in_dim3A_413 = vector.broadcast %jit3A_411 : f32 to vector<16xf32>
      %broadcast_in_dim3A_414 = vector.broadcast %jit3A_412 : f32 to vector<16xf32>
      %select_n3A_415 = arith.select %eq3A_410, %broadcast_in_dim3A_413, %broadcast_in_dim3A_414 : vector<16xi1>, vector<16xf32>
      %mul3A_416 = arith.constant 16 : i32
      %mul3A_417 = arith.muli %add3A_14, %mul3A_416 : i32
      %add3A_418 = arith.constant 12 : i32
      %add3A_419 = arith.addi %mul3A_417, %add3A_418 : i32
      %mul3A_420 = arith.constant 16 : i32
      %mul3A_421 = arith.muli %add3A_419, %mul3A_420 : i32
      %multiple_of3A_422 = tpu.assume_multiple %mul3A_421, 16 : i32
      %swap3A_423 = arith.index_cast %multiple_of3A_422 : i32 to index
      %swap3A_424 = tpu.vector_load %arg6[%swap3A_423] {strides = array<i32>} : memref<8192xf32, #tpu.memory_space<vmem>>, vector<16xf32>,
      tpu.vector_store %arg6[%swap3A_423], %select_n3A_415 {strides = array<i32>} : memref<8192xf32, #tpu.memory_space<vmem>>, vector<16xf32>,
      %add3A_425 = arith.constant 8 : i32
      %add3A_426 = arith.addi %multiple_of3A_422, %add3A_425 : i32
      %multiple_of3A_427 = tpu.assume_multiple %add3A_426, 8 : i32
      %mul3A_428 = arith.constant 16 : i32
      %mul3A_429 = arith.muli %add3A_14, %mul3A_428 : i32
      %add3A_430 = arith.addi %multiple_of3A, %mul3A_429 : i32
      %add3A_431 = arith.constant 8 : i32
      %add3A_432 = arith.addi %add3A_430, %add3A_431 : i32
      %multiple_of3A_433 = tpu.assume_multiple %add3A_432, 8 : i32
      %dma_start3A_434 = tpu.memref_slice %arg6[%multiple_of3A_427] : memref<8192xf32, #tpu.memory_space<vmem>> -> memref<8xf32, #tpu.memory_space<vmem>>
      %dma_start3A_435 = tpu.memref_slice %arg4[%squeeze3A_408, %multiple_of3A_433] : memref<1000x16384xf32, #tpu.memory_space<hbm>> -> memref<1x8xf32, #tpu.memory_space<hbm>>
      %dma_start3A_436 = tpu.memref_squeeze %dma_start3A_435 : memref<1x8xf32, #tpu.memory_space<hbm>> -> memref<8xf32, #tpu.memory_space<hbm>>
      %dma_start3A_437 = tpu.memref_slice %arg4[%squeeze3A_408, %multiple_of3A_433] : memref<1000x16384xf32, #tpu.memory_space<hbm>> -> memref<1x8xf32, #tpu.memory_space<hbm>>
      %dma_start3A_438 = tpu.memref_squeeze %dma_start3A_437 : memref<1x8xf32, #tpu.memory_space<hbm>> -> memref<8xf32, #tpu.memory_space<hbm>>
      %dma_start3A_439 = tpu.memref_slice %arg6[%multiple_of3A_427] : memref<8192xf32, #tpu.memory_space<vmem>> -> memref<8xf32, #tpu.memory_space<vmem>>
      tpu.enqueue_dma source(%dma_start3A_439 : memref<8xf32, #tpu.memory_space<vmem>>) target(%dma_start3A_438 : memref<8xf32, #tpu.memory_space<hbm>>) target_semaphore(%arg8 : memref<!tpu.dma_semaphore, #tpu.memory_space<semaphore_mem>>)
      %slice3A_440 = vector.extract_strided_slice %get3A_18 {offsets = [13], sizes = [1], strides = [1]} : vector<16xi32> to vector<1xi32>
      %squeeze3A_441 = vector.extract %slice3A_440[0] : i32 from vector<1xi32>
      %eq3A_442 = vector.broadcast %squeeze3A_441 : i32 to vector<16xi32>
      %eq3A_443 = arith.cmpi eq, %get3A_18, %eq3A_442 : vector<16xi32>
      %jit3A_444 = arith.constant 1.000000e+00 : f32
      %jit3A_445 = arith.constant 0.000000e+00 : f32
      %broadcast_in_dim3A_446 = vector.broadcast %jit3A_444 : f32 to vector<16xf32>
      %broadcast_in_dim3A_447 = vector.broadcast %jit3A_445 : f32 to vector<16xf32>
      %select_n3A_448 = arith.select %eq3A_443, %broadcast_in_dim3A_446, %broadcast_in_dim3A_447 : vector<16xi1>, vector<16xf32>
      %mul3A_449 = arith.constant 16 : i32
      %mul3A_450 = arith.muli %add3A_14, %mul3A_449 : i32
      %add3A_451 = arith.constant 13 : i32
      %add3A_452 = arith.addi %mul3A_450, %add3A_451 : i32
      %mul3A_453 = arith.constant 16 : i32
      %mul3A_454 = arith.muli %add3A_452, %mul3A_453 : i32
      %multiple_of3A_455 = tpu.assume_multiple %mul3A_454, 16 : i32
      %swap3A_456 = arith.index_cast %multiple_of3A_455 : i32 to index
      %swap3A_457 = tpu.vector_load %arg6[%swap3A_456] {strides = array<i32>} : memref<8192xf32, #tpu.memory_space<vmem>>, vector<16xf32>,
      tpu.vector_store %arg6[%swap3A_456], %select_n3A_448 {strides = array<i32>} : memref<8192xf32, #tpu.memory_space<vmem>>, vector<16xf32>,
      %add3A_458 = arith.constant 8 : i32
      %add3A_459 = arith.addi %multiple_of3A_455, %add3A_458 : i32
      %multiple_of3A_460 = tpu.assume_multiple %add3A_459, 8 : i32
      %mul3A_461 = arith.constant 16 : i32
      %mul3A_462 = arith.muli %add3A_14, %mul3A_461 : i32
      %add3A_463 = arith.addi %multiple_of3A, %mul3A_462 : i32
      %add3A_464 = arith.constant 8 : i32
      %add3A_465 = arith.addi %add3A_463, %add3A_464 : i32
      %multiple_of3A_466 = tpu.assume_multiple %add3A_465, 8 : i32
      %dma_start3A_467 = tpu.memref_slice %arg6[%multiple_of3A_460] : memref<8192xf32, #tpu.memory_space<vmem>> -> memref<8xf32, #tpu.memory_space<vmem>>
      %dma_start3A_468 = tpu.memref_slice %arg4[%squeeze3A_441, %multiple_of3A_466] : memref<1000x16384xf32, #tpu.memory_space<hbm>> -> memref<1x8xf32, #tpu.memory_space<hbm>>
      %dma_start3A_469 = tpu.memref_squeeze %dma_start3A_468 : memref<1x8xf32, #tpu.memory_space<hbm>> -> memref<8xf32, #tpu.memory_space<hbm>>
      %dma_start3A_470 = tpu.memref_slice %arg4[%squeeze3A_441, %multiple_of3A_466] : memref<1000x16384xf32, #tpu.memory_space<hbm>> -> memref<1x8xf32, #tpu.memory_space<hbm>>
      %dma_start3A_471 = tpu.memref_squeeze %dma_start3A_470 : memref<1x8xf32, #tpu.memory_space<hbm>> -> memref<8xf32, #tpu.memory_space<hbm>>
      %dma_start3A_472 = tpu.memref_slice %arg6[%multiple_of3A_460] : memref<8192xf32, #tpu.memory_space<vmem>> -> memref<8xf32, #tpu.memory_space<vmem>>
      tpu.enqueue_dma source(%dma_start3A_472 : memref<8xf32, #tpu.memory_space<vmem>>) target(%dma_start3A_471 : memref<8xf32, #tpu.memory_space<hbm>>) target_semaphore(%arg8 : memref<!tpu.dma_semaphore, #tpu.memory_space<semaphore_mem>>)
      %slice3A_473 = vector.extract_strided_slice %get3A_18 {offsets = [14], sizes = [1], strides = [1]} : vector<16xi32> to vector<1xi32>
      %squeeze3A_474 = vector.extract %slice3A_473[0] : i32 from vector<1xi32>
      %eq3A_475 = vector.broadcast %squeeze3A_474 : i32 to vector<16xi32>
      %eq3A_476 = arith.cmpi eq, %get3A_18, %eq3A_475 : vector<16xi32>
      %jit3A_477 = arith.constant 1.000000e+00 : f32
      %jit3A_478 = arith.constant 0.000000e+00 : f32
      %broadcast_in_dim3A_479 = vector.broadcast %jit3A_477 : f32 to vector<16xf32>
      %broadcast_in_dim3A_480 = vector.broadcast %jit3A_478 : f32 to vector<16xf32>
      %select_n3A_481 = arith.select %eq3A_476, %broadcast_in_dim3A_479, %broadcast_in_dim3A_480 : vector<16xi1>, vector<16xf32>
      %mul3A_482 = arith.constant 16 : i32
      %mul3A_483 = arith.muli %add3A_14, %mul3A_482 : i32
      %add3A_484 = arith.constant 14 : i32
      %add3A_485 = arith.addi %mul3A_483, %add3A_484 : i32
      %mul3A_486 = arith.constant 16 : i32
      %mul3A_487 = arith.muli %add3A_485, %mul3A_486 : i32
      %multiple_of3A_488 = tpu.assume_multiple %mul3A_487, 16 : i32
      %swap3A_489 = arith.index_cast %multiple_of3A_488 : i32 to index
      %swap3A_490 = tpu.vector_load %arg6[%swap3A_489] {strides = array<i32>} : memref<8192xf32, #tpu.memory_space<vmem>>, vector<16xf32>,
      tpu.vector_store %arg6[%swap3A_489], %select_n3A_481 {strides = array<i32>} : memref<8192xf32, #tpu.memory_space<vmem>>, vector<16xf32>,
      %add3A_491 = arith.constant 8 : i32
      %add3A_492 = arith.addi %multiple_of3A_488, %add3A_491 : i32
      %multiple_of3A_493 = tpu.assume_multiple %add3A_492, 8 : i32
      %mul3A_494 = arith.constant 16 : i32
      %mul3A_495 = arith.muli %add3A_14, %mul3A_494 : i32
      %add3A_496 = arith.addi %multiple_of3A, %mul3A_495 : i32
      %add3A_497 = arith.constant 8 : i32
      %add3A_498 = arith.addi %add3A_496, %add3A_497 : i32
      %multiple_of3A_499 = tpu.assume_multiple %add3A_498, 8 : i32
      %dma_start3A_500 = tpu.memref_slice %arg6[%multiple_of3A_493] : memref<8192xf32, #tpu.memory_space<vmem>> -> memref<8xf32, #tpu.memory_space<vmem>>
      %dma_start3A_501 = tpu.memref_slice %arg4[%squeeze3A_474, %multiple_of3A_499] : memref<1000x16384xf32, #tpu.memory_space<hbm>> -> memref<1x8xf32, #tpu.memory_space<hbm>>
      %dma_start3A_502 = tpu.memref_squeeze %dma_start3A_501 : memref<1x8xf32, #tpu.memory_space<hbm>> -> memref<8xf32, #tpu.memory_space<hbm>>
      %dma_start3A_503 = tpu.memref_slice %arg4[%squeeze3A_474, %multiple_of3A_499] : memref<1000x16384xf32, #tpu.memory_space<hbm>> -> memref<1x8xf32, #tpu.memory_space<hbm>>
      %dma_start3A_504 = tpu.memref_squeeze %dma_start3A_503 : memref<1x8xf32, #tpu.memory_space<hbm>> -> memref<8xf32, #tpu.memory_space<hbm>>
      %dma_start3A_505 = tpu.memref_slice %arg6[%multiple_of3A_493] : memref<8192xf32, #tpu.memory_space<vmem>> -> memref<8xf32, #tpu.memory_space<vmem>>
      tpu.enqueue_dma source(%dma_start3A_505 : memref<8xf32, #tpu.memory_space<vmem>>) target(%dma_start3A_504 : memref<8xf32, #tpu.memory_space<hbm>>) target_semaphore(%arg8 : memref<!tpu.dma_semaphore, #tpu.memory_space<semaphore_mem>>)
      %slice3A_506 = vector.extract_strided_slice %get3A_18 {offsets = [15], sizes = [1], strides = [1]} : vector<16xi32> to vector<1xi32>
      %squeeze3A_507 = vector.extract %slice3A_506[0] : i32 from vector<1xi32>
      %eq3A_508 = vector.broadcast %squeeze3A_507 : i32 to vector<16xi32>
      %eq3A_509 = arith.cmpi eq, %get3A_18, %eq3A_508 : vector<16xi32>
      %jit3A_510 = arith.constant 1.000000e+00 : f32
      %jit3A_511 = arith.constant 0.000000e+00 : f32
      %broadcast_in_dim3A_512 = vector.broadcast %jit3A_510 : f32 to vector<16xf32>
      %broadcast_in_dim3A_513 = vector.broadcast %jit3A_511 : f32 to vector<16xf32>
      %select_n3A_514 = arith.select %eq3A_509, %broadcast_in_dim3A_512, %broadcast_in_dim3A_513 : vector<16xi1>, vector<16xf32>
      %mul3A_515 = arith.constant 16 : i32
      %mul3A_516 = arith.muli %add3A_14, %mul3A_515 : i32
      %add3A_517 = arith.constant 15 : i32
      %add3A_518 = arith.addi %mul3A_516, %add3A_517 : i32
      %mul3A_519 = arith.constant 16 : i32
      %mul3A_520 = arith.muli %add3A_518, %mul3A_519 : i32
      %multiple_of3A_521 = tpu.assume_multiple %mul3A_520, 16 : i32
      %swap3A_522 = arith.index_cast %multiple_of3A_521 : i32 to index
      %swap3A_523 = tpu.vector_load %arg6[%swap3A_522] {strides = array<i32>} : memref<8192xf32, #tpu.memory_space<vmem>>, vector<16xf32>,
      tpu.vector_store %arg6[%swap3A_522], %select_n3A_514 {strides = array<i32>} : memref<8192xf32, #tpu.memory_space<vmem>>, vector<16xf32>,
      %add3A_524 = arith.constant 8 : i32
      %add3A_525 = arith.addi %multiple_of3A_521, %add3A_524 : i32
      %multiple_of3A_526 = tpu.assume_multiple %add3A_525, 8 : i32
      %mul3A_527 = arith.constant 16 : i32
      %mul3A_528 = arith.muli %add3A_14, %mul3A_527 : i32
      %add3A_529 = arith.addi %multiple_of3A, %mul3A_528 : i32
      %add3A_530 = arith.constant 8 : i32
      %add3A_531 = arith.addi %add3A_529, %add3A_530 : i32
      %multiple_of3A_532 = tpu.assume_multiple %add3A_531, 8 : i32
      %dma_start3A_533 = tpu.memref_slice %arg6[%multiple_of3A_526] : memref<8192xf32, #tpu.memory_space<vmem>> -> memref<8xf32, #tpu.memory_space<vmem>>
      %dma_start3A_534 = tpu.memref_slice %arg4[%squeeze3A_507, %multiple_of3A_532] : memref<1000x16384xf32, #tpu.memory_space<hbm>> -> memref<1x8xf32, #tpu.memory_space<hbm>>
      %dma_start3A_535 = tpu.memref_squeeze %dma_start3A_534 : memref<1x8xf32, #tpu.memory_space<hbm>> -> memref<8xf32, #tpu.memory_space<hbm>>
      %dma_start3A_536 = tpu.memref_slice %arg4[%squeeze3A_507, %multiple_of3A_532] : memref<1000x16384xf32, #tpu.memory_space<hbm>> -> memref<1x8xf32, #tpu.memory_space<hbm>>
      %dma_start3A_537 = tpu.memref_squeeze %dma_start3A_536 : memref<1x8xf32, #tpu.memory_space<hbm>> -> memref<8xf32, #tpu.memory_space<hbm>>
      %dma_start3A_538 = tpu.memref_slice %arg6[%multiple_of3A_526] : memref<8192xf32, #tpu.memory_space<vmem>> -> memref<8xf32, #tpu.memory_space<vmem>>
      tpu.enqueue_dma source(%dma_start3A_538 : memref<8xf32, #tpu.memory_space<vmem>>) target(%dma_start3A_537 : memref<8xf32, #tpu.memory_space<hbm>>) target_semaphore(%arg8 : memref<!tpu.dma_semaphore, #tpu.memory_space<semaphore_mem>>)
    }
    %scan3A_6 = arith.constant 32 : i32
    %dma_wait3A = arith.constant 0 : i32
    %dma_wait3A_7 = tpu.memref_slice %arg2[%dma_wait3A] : memref<16384xi32, #tpu.memory_space<hbm>> -> memref<4096xi32, #tpu.memory_space<hbm>>
    %dma_wait3A_8 = arith.constant 0 : i32
    %dma_wait3A_9 = tpu.memref_slice %arg2[%dma_wait3A_8] : memref<16384xi32, #tpu.memory_space<hbm>> -> memref<4096xi32, #tpu.memory_space<hbm>>
    tpu.wait_dma2 semaphore(%arg8 : memref<!tpu.dma_semaphore, #tpu.memory_space<semaphore_mem>>) src(%dma_wait3A_9 : memref<4096xi32, #tpu.memory_space<hbm>>) dst(%arg7 : memref<4096xi32, #tpu.memory_space<vmem>>)
    return
  }
}

module attributes {stable_mosaic.version = 14 : i64} {
  func.func @_zero_body(%arg0: i32, %arg1: memref<16384xi32, #tpu.memory_space<any>>, %arg2: memref<1000x2048xf32, #tpu.memory_space<vmem>>) attributes {dimension_semantics = [#tpu.dimension_semantics<arbitrary>], iteration_bounds = array<i64: 8>, scalar_prefetch = 0 : i64, scratch_operands = 0 : i64, tpu.core_type = #tpu.core_type<tc>, window_params = [{}, {transform_indices = @transform_1, window_bounds = array<i64: 1000, 2048>}]} {
    %broadcast_in_dim3A = arith.constant 0.000000e+00 : f32
    %broadcast_in_dim3A_0 = vector.broadcast %broadcast_in_dim3A : f32 to vector<1000x2048xf32>
    %swap3A = arith.constant 0 : index
    %swap3A_1 = arith.constant 0 : index
    %swap3A_2 = vector.load %arg2[%swap3A, %swap3A_1] : memref<1000x2048xf32, #tpu.memory_space<vmem>>, vector<1000x2048xf32>
    tpu.vector_store %arg2[%swap3A, %swap3A_1], %broadcast_in_dim3A_0 {strides = array<i32>} : memref<1000x2048xf32, #tpu.memory_space<vmem>>, vector<1000x2048xf32>,
    return
  }
  func.func @transform_1(%arg0: i32) -> (i32, i32) {
    %c0_i32 = arith.constant 0 : i32
    %c0_i32_0 = arith.constant 0 : i32
    return %c0_i32, %arg0 : i32, i32
  }
}

</mosaic_0001>

<sc_bundles>
// kernel: sc_one_hot_scatter.3.cloned.1.call-start
scs
__scs_entry_jumppad:
0x0: {  	(pc) =	sbr.rel $0x88, $3  }
0x1: {  	(tag) =	ssettag $0x0;
	lr =	simm.s32 $0x1  }
0x2: {  	[smem:$0x3FA0] =	sst lr;
	_ =	strace $0xD0000000  }
0x3: {  	_ = 	snop  }
0x4: {  	_ = 	snop  }
0x5: {  	_ = 	snop  }
0x6: {  	_ = 	snop  }
0x7: {  	_ = 	snop  }
__scs_overlays_trampoline_lowered:
0x8: {  	[smem:$0x3FAF] =	sst s0  }
0x9: {  	[smem:$0x3FB0] =	sst s1  }
0xa: {  	[smem:$0x3FB1] =	sst s2  }
0xb: {  	[smem:$0x3FB2] =	sst s3  }
0xc: {  	[smem:$0x3FB3] =	sst s4  }
0xd: {  	[smem:$0x3FB4] =	sst s5  }
0xe: {  	[smem:$0x3FB5] =	sst s6  }
0xf: {  	[smem:$0x3FB6] =	sst s7  }
0x10: {  	[smem:$0x3FB7] =	sst s8  }
0x11: {  	[smem:$0x3FB8] =	sst s9;
	s0 =	simm.s32 @!p0 $0x0  }
0x12: {  	s1 =	sld [smem:$0x3F9E];
	s0 =	simm.s32 @p0 $0x1  }
0x13: {  	[smem:$0x3FB9] =	sst s0;
	s0 =	simm.s32 @!p1 $0x0  }
0x14: {  	s2 =	sld [smem:$0x3F9D];
	s0 =	simm.s32 @p1 $0x1  }
0x15: {  	[smem:$0x3FBA] =	sst s0;
	s0 =	simm.s32 @!p2 $0x0  }
0x16: {  	s3 =	sld [smem:$0x3FDB];
	s0 =	simm.s32 @p2 $0x1  }
0x17: {  	s4 =	simm.s32 $0x1BF5;
	[smem:$0x3FBC] =	sst s0  }
0x18: {  	s0 =	sld [smem:$0x3F9F];
	_ =	swait.ge [sflag:s4], $0x0  }
0x19: {  	s7 =	sld [smem:$0x3FA0]  }
0x1a: {  	s8 =	sadd.s32 $0xFFFFE003, lr  }
0x1b: {  	s9 =	sadd.s32 $0xFFFFFEF7, lr;
	s5 =	simm.s32 $0xFFFFFFFF;
	p2 =	slt.u32 s8, $0xFFFFF086  }
0x1c: {  	p1 =	slt.u32 s9, $0xF7A;
	s5 =	simm.s32 @!p2 $0x0  }
0x1d: {  	s5 =	simm.s32 @p1 $0x1;
	p0 =	seq.s32 s7, s2  }
0x1e: {  	s7 =	smul.u32 @!p0 $0xF7A, s2;
	p2 =	seq.s32 @!p0 s5, $0x0  }
0x1f: {  	s9 =	smul.u32 $0xF7A, s1;
	s8 =	simm.s32 @!p0 $0x1BF5;
	p2 =	por !p2, p0  }
0x20: {  	[sflag:s8] =	ssyncset.s32 @!p0 $0xFFFFF086;
	s6 =	sadd.s32 @!p0 s3, s7;
	s7 =	simm.s32 @!p0 $0x108  }
0x21: {  	s3 =	sadd.s32 s3, s9;
	s6 =	sadd.s32 @!p0 $0x88, s6;
	s7 =	simm.s32 @p2 $0x1082  }
0x22: {  	[simem:s7], [sflag:s8] =	dma.local @!p0 [hbm:s6], $0xF7A  }
0x23: {  	s9 =	sor.u32 $0xD0000000, s2;
	s6 =	simm.s32 $0x108;
	_ =	swait.ge @!p0 [sflag:s8], $0x0  }
0x24: {  	s3 =	sadd.s32 $0x88, s3;
	s6 =	simm.s32 @!p1 $0x1082;
	[sflag:s4] =	ssyncset.s32 $0xFFFFF086  }
0x25: {  	[simem:s6], [sflag:s4] =	dma.local [hbm:s3], $0xF7A  }
0x26: {  	[smem:$0x3FA0] =	sst s1;
	(tag) =	ssettag s2;
	_ =	strace s9  }
0x27: {  	s1 =	sld [smem:$0x3FB0]  }
0x28: {  	s2 =	sld [smem:$0x3FB1]  }
0x29: {  	s4 =	sld [smem:$0x3FB3]  }
0x2a: {  	p0 =	seq.s32 s5, $0x0;
	s5 =	sld [smem:$0x3FB4]  }
0x2b: {  	s6 =	sld [smem:$0x3FB5]  }
0x2c: {  	s7 =	sld [smem:$0x3FB6]  }
0x2d: {  	s3 =	simm.s32 $0x108;
	s8 =	sld [smem:$0x3FB7]  }
0x2e: {  	s3 =	simm.s32 @!p0 $0x1082;
	s9 =	sld [smem:$0x3FB8]  }
0x2f: {  	lr =	sadd.s32 s0, s3;
	s0 =	sld [smem:$0x3FAF]  }
0x30: {  	s3 =	sld [smem:$0x3FB2]  }
0x31: {  	[smem:$0x3FBB] =	sst s10  }
0x32: {  	s10 =	sld [smem:$0x3FB9];
	_ =	sdelay $0x3  }
0x33: {  	p0 =	seq.s32 s10, $0x1;
	s10 =	sld [smem:$0x3FBB];
	_ =	sdelay $0x3  }
0x34: {  	[smem:$0x3FBB] =	sst s10  }
0x35: {  	s10 =	sld [smem:$0x3FBA];
	_ =	sdelay $0x3  }
0x36: {  	p1 =	seq.s32 s10, $0x1;
	s10 =	sld [smem:$0x3FBB];
	_ =	sdelay $0x3  }
0x37: {  	[smem:$0x3FBB] =	sst s10  }
0x38: {  	s10 =	sld [smem:$0x3FBC]  }
0x39: {  	_ = 	snop;
	(pc) =	sbr.ind lr, $3  }
0x3a: {  	_ = 	snop  }
0x3b: {  	_ = 	snop  }
0x3c: {  	p2 =	seq.s32 s10, $0x1;
	s10 =	sld [smem:$0x3FBB]  }
0x3d: {  	_ =	shalt  }
0x3e: {  	_ =	shalt  }
0x3f: {  	_ =	shalt  }
0x40: {  	_ =	shalt  }
0x41: {  	_ =	shalt  }
0x42: {  	_ =	shalt  }
0x43: {  	_ =	shalt  }
0x44: {  	_ =	shalt  }
0x45: {  	_ =	shalt  }
0x46: {  	_ =	shalt  }
0x47: {  	_ =	shalt  }
0x48: {  	_ =	shalt  }
0x49: {  	_ =	shalt  }
0x4a: {  	_ =	shalt  }
0x4b: {  	_ =	shalt  }
0x4c: {  	_ =	shalt  }
0x4d: {  	_ =	shalt  }
0x4e: {  	_ =	shalt  }
0x4f: {  	_ =	shalt  }
0x50: {  	_ =	shalt  }
0x51: {  	_ =	shalt  }
0x52: {  	_ =	shalt  }
0x53: {  	_ =	shalt  }
0x54: {  	_ =	shalt  }
0x55: {  	_ =	shalt  }
0x56: {  	_ =	shalt  }
0x57: {  	_ =	shalt  }
0x58: {  	_ =	shalt  }
0x59: {  	_ =	shalt  }
0x5a: {  	_ =	shalt  }
0x5b: {  	_ =	shalt  }
0x5c: {  	_ =	shalt  }
0x5d: {  	_ =	shalt  }
0x5e: {  	_ =	shalt  }
0x5f: {  	_ =	shalt  }
0x60: {  	_ =	shalt  }
0x61: {  	_ =	shalt  }
0x62: {  	_ =	shalt  }
0x63: {  	_ =	shalt  }
0x64: {  	_ =	shalt  }
0x65: {  	_ =	shalt  }
0x66: {  	_ =	shalt  }
0x67: {  	_ =	shalt  }
0x68: {  	_ =	shalt  }
0x69: {  	_ =	shalt  }
0x6a: {  	_ =	shalt  }
0x6b: {  	_ =	shalt  }
0x6c: {  	_ =	shalt  }
0x6d: {  	_ =	shalt  }
0x6e: {  	_ =	shalt  }
0x6f: {  	_ =	shalt  }
0x70: {  	_ =	shalt  }
0x71: {  	_ =	shalt  }
0x72: {  	_ =	shalt  }
0x73: {  	_ =	shalt  }
0x74: {  	_ =	shalt  }
0x75: {  	_ =	shalt  }
0x76: {  	_ =	shalt  }
0x77: {  	_ =	shalt  }
0x78: {  	_ =	shalt  }
0x79: {  	_ =	shalt  }
0x7a: {  	_ =	shalt  }
0x7b: {  	_ =	shalt  }
0x7c: {  	_ =	shalt  }
0x7d: {  	_ =	shalt  }
0x7e: {  	_ =	shalt  }
0x7f: {  	_ =	shalt  }
0x80: {  	_ =	shalt  }
0x81: {  	_ =	shalt  }
0x82: {  	_ =	shalt  }
0x83: {  	_ =	shalt  }
0x84: {  	_ =	shalt  }
0x85: {  	_ =	shalt  }
0x86: {  	_ =	shalt  }
0x87: {  	_ =	shalt  }
.Lfunc_end0:
.L_simem_size_0:
called_computation_lowered:
.L_overlay_start_0:
0x88: {  	s2 =	sld [smem:$0x3FD9]  }
0x89: {  	s3 =	sld [smem:$0x3FFE];
	_ =	sdelay $0x1  }
0x8a: {  	s1 =	srdreg.scid  }
0x8b: {  	s0 =	sand.u32 $0x1, s1  }
0x8c: {  	s18 =	sshll.u32 s0, $0xA;
	s2 =	sadd.s32 s3, s2  }
0x8d: {  	s2 =	sadd.s32 s2, s18  }
0x8e: {  	[smem:$0x3FC7] =	sst s2  }
0x8f: {  	_ = 	snop  }
0x90: {  	s2 =	sld [smem:$0x3FC9]  }
0x91: {  	s19 =	sld [smem:$0x3FD0];
	(tm) =	ssettm $0x1  }
0x92: {  	s4 =	sld [smem:$0x3FFB];
	_ =	sdelay $0x3  }
0x93: {  	_ =	strace s4  }
0x94: {  	s4 =	sld [smem:$0x3FFC];
	_ =	sdelay $0x3  }
0x95: {  	_ =	strace s4  }
0x96: {  	s4 =	sld [smem:$0x3FFD];
	_ =	sdelay $0x3  }
0x97: {  	_ =	strace s4  }
0x98: {  	_ =	strace $0x8FFFFFFF  }
0x99: {  	s20 =	sld [smem:$0x3FDB];
	_ =	sdelay $0x1  }
0x9a: {  	s5 =	simm.s32 $_scs_section_size  }
0x9b: {  	s6 =	simm.s32 $_size__tile_overlayer_lowered;
	s7 =	simm.s32 $_tile_overlayer_lowered  }
0x9c: {  	s23 =	simm.s32 $0x1BFF;
	s22 =	sshll.u32 s7, $0x1;
	s4 =	sadd.s32 s5, s20  }
0x9d: {  	s8 =	simm.s32 $0x0;
	s21 =	sshll.u32 s6, $0x1;
	s6 =	sadd.s32 s22, s4  }
0x9e: {  	[timem:s8], [sflag:s23] =	dma.local [hbm:s6], s21  }
0x9f: {  	_ =	swait.ge [sflag:s23], s21  }
0xa0: {  	s5 =	ssub.s32 $0x0, s21;
	[sflag:s23] =	ssyncset.done $0x0  }
0xa1: {  	[sflag:s23] =	ssyncadd.s32 s5;
	_ =	sdelay $0x1  }
0xa2: {  	s24 =	simm.s32 $0x1B8B  }
0xa3: {  	_ =	swait.ge [sflag:s24], $0x1  }
0xa4: {  	[sflag:s24] =	ssyncset.done $0x0  }
0xa5: {  	s25 =	simm.s32 $0x1B8E;
	[sflag:s24] =	ssyncadd.s32 $0xFFFFFFFF  }
0xa6: {  	s26 =	simm.s32 $execute0_lowered;
	[smem:$0x3FD2] =	sst s25  }
0xa7: {  	s5 =	sshll.u32 s26, $0x1;
	_ =	strace $0x80000046;
	[dreg:$0x1] =	wrdreg $0xFFFFFFFF  }
0xa8: {  	s28 =	simm.s32 $_size_execute0_lowered;
	s4 =	sadd.s32 s4, s5;
	[dreg:$0x0] =	wrdreg $0x0  }
0xa9: {  	s5 =	sshll.u32 s28, $0x1;
	[dreg:$0x2] =	wrdreg s4  }
0xaa: {  	[dreg:$0x3] =	wrdreg s5  }
0xab: {  	[dreg:$0x4] =	wrdreg $0xC0  }
0xac: {  	_ =	task [dreg:s8], $0x5FFFF  }
0xad: {  	[dreg:$0x1] =	wrdreg $0xFFFFFFFF  }
0xae: {  	[dreg:$0x0] =	wrdreg $0x60  }
0xaf: {  	[dreg:$0x2] =	wrdreg s2  }
0xb0: {  	[dreg:$0x3] =	wrdreg s19  }
0xb1: {  	[dreg:$0x4] =	wrdreg $0x9  }
0xb2: {  	_ =	task.clear_ibuf [dreg:s8], $0x5FFFF;
	_ =	strace $0x90000046  }
0xb3: {  	s29 =	simm.s32 $0x9;
	_ =	strace $0x80000048  }
0xb4: {  	_ =	swait.ge [sflag:s29], $0x1  }
0xb5: {  	[sflag:s29] =	ssyncadd.s32 $0xFFFFFFFF  }
0xb6: {  	_ =	strace $0x90000048  }
0xb7: {  	_ =	sfence  }
0xb8: {  	s30 =	sld [smem:$0x0];
	_ =	sdelay $0x2  }
0xb9: {  	s31 =	sshll.u32 s1, $0xD;
	s1 =	sshrl.u32 s1, $0x2  }
0xba: {  	s3 =	sand.u32 $0x4000, s31;
	s1 =	sadd.s32 s1, s30  }
0xbb: {  	s0 =	sor.u32 s3, s0;
	s1 =	sshll.u32 s1, $0x11  }
0xbc: {  	s0 =	sor.u32 s1, s0  }
0xbd: {  	s0 =	sadd.s32 $0x8F2B, s0  }
0xbe: {  	[sflag:s0] =	ssyncadd.remote.s32 $0x1  }
0xbf: {  	_ =	sfence.sel $0xFFFF  }
0xc0: {  	[dreg:$0x0] =	wrdreg $0xFFFFFFFF;
	(pc) =	sbr.abs _section_cstart, $3  }
0xc1: {  	[dreg:$0x1] =	wrdreg $0xFFFFFFFF  }
0xc2: {  	_ =	task.clear_ibuf [dreg:s8], $0x2FFFF;
	_ =	strace $0x9FFFFFFF  }
0xc3: {  	(tm) =	ssettm $0x7FFFFFFF  }
tec
execute0_lowered:
.L_overlay_start_1:
0x0: {  	(tag) =	ssettag $0x1  }
0x1: {  	s0 =	rddreg [dreg:$0x0]  }
0x2: {  	s2 =	srdreg.scid;
	s1 =	simm.s32 $0x0;
	s26 =	stileid.u32  }
0x3: {  	s2 =	sand.u32 $0x1, s2;
	[smem:$0x7FF] =	sst s1;
	s6 =	sshll.u32 s26, $0xA  }
0x4: {  	s29 =	sshll.u32 s26, $0xD;
	s4 =	ssub.s32 $0x2, s2;
	s7 =	sshll.u32 s2, $0x9  }
0x5: {  	s2 =	sshll.u32 s2, $0xC;
	s5 =	sshrl.u32 s4, $0x1;
	s28 =	sor.u32 s7, s6  }
0x6: {  	s31 =	sor.u32 s2, s29;
	s4 =	ssub.s32 s4, s5;
	s5 =	sshrl.u32 s28, $0x3  }
0x7: {  	_ =	strace $0x80000047;
	[dreg:$0x10] =	wrdreg s31;
	s0 =	sadd.s32 s0, s5  }
0x8: {  	s30 =	smax.u32 s4, $0x1;
	[dreg:$0xe] =	wrdreg s0  }
0x9: {  	v0 =	vimm.f32 $0.0e+00;
	s2 =	simm.s32 $0x0;
	[dreg:$0xf] =	wrdreg s30  }
.LBB2_1:
0xa: {  	[dreg:$0x11] =	wrdreg s2  }
0xb: {  	s0 =	simm.s32 $0x0;
	s1 =	rddreg [dreg:$0xe];
	s7 =	simm.s32 $0x2  }
0xc: {  	[tilespmem:s0], [sflag:$0x2] =	stream.linear.gather [hbm4b:s1+s0], $0x200, $0x38;
	[tilespmem:$0x2200] =	vst v63  }
0xd: {  	_ =	swait.ge [sflag:s7], $0x200  }
0xe: {  	[sflag:s7] =	ssyncset.done $0x0  }
0xf: {  	[sflag:s7] =	ssyncadd.s32 $0xFFFFFE00  }
0x10: {  	v1 =	vld [tilespmem:s0+$0x0];
	_ =	sdelay $0x4  }
0x11: {  	(v2sf) =	vpush v1, $0x1  }
0x12: {  	(v2sf) =	vpush v1, $0x2  }
0x13: {  	(v2sf) =	vpush v1, $0x3;
	_ =	sdelay $0x1  }
0x14: {  	(v2sf) =	vpush v1, $0x6  }
0x15: {  	(v2sf) =	vpush v1, $0x0;
	_ =	sdelay $0x2  }
0x16: {  	(v2sf) =	vpush v1, $0x4  }
0x17: {  	s8 =	simm.s32 $0x400  }
0x18: {  	s10 =	simm.s32 $0x0;
	s9 =	simm.s32 $0x230;
	[dreg:$0x4] =	wrdreg s8;
	(v2sf) =	vpush v1, $0x5  }
0x19: {  	s21 =	simm.s32 $0x10;
	s14 =	simm.s32 $0x210;
	[dreg:$0x5] =	wrdreg s9  }
0x1a: {  	s23 =	simm.s32 $0x2A8;
	s20 =	simm.s32 $0x2B8;
	[dreg:$0x7] =	wrdreg s14  }
0x1b: {  	s26 =	simm.s32 $0x270;
	s31 =	simm.s32 $0x200;
	s11 =	rddreg [dreg:$0x10]  }
0x1c: {  	s12 =	sadd.s32 $0x80, s11;
	s11 =	sand.u32 $0x1FC00, s11;
	s0 =	sand.u32 $0x70, s0  }
0x1d: {  	[dreg:$0x3] =	wrdreg s12;
	s12 =	simm.s32 $0x10;
	s13 =	spop (v2sf)  }
0x1e: {  	s4 =	spop (v2sf);
	s5 =	sshll.u32 s13, $0xE;
	s2 =	sshll.u32 s13, $0x7  }
0x1f: {  	s6 =	sshll.u32 s4, $0xE;
	s7 =	spop (v2sf);
	s2 =	sand.u32 $0x380, s2  }
0x20: {  	s4 =	sshll.u32 s4, $0x7;
	s5 =	sand.u32 $0xFFFE0000, s5;
	s6 =	sand.u32 $0xFFFE0000, s6  }
0x21: {  	s8 =	sshll.u32 s7, $0xE;
	s7 =	sshll.u32 s7, $0x7;
	s9 =	spop (v2sf)  }
0x22: {  	s4 =	sand.u32 $0x380, s4;
	s2 =	sor.u32 s5, s2;
	s16 =	spop (v2sf)  }
0x23: {  	(v2sf) =	vpush v1, $0xF;
	s17 =	sshll.u32 s9, $0xE;
	s7 =	sand.u32 $0x380, s7;
	s4 =	sor.u32 s6, s4  }
0x24: {  	(v2sf) =	vpush v1, $0xE;
	s15 =	sand.u32 $0xFFFE0000, s8;
	s2 =	sor.u32 s0, s2;
	s18 =	sshll.u32 s16, $0xE  }
0x25: {  	(v2sf) =	vpush v1, $0x7;
	s19 =	spop (v2sf);
	s22 =	sshll.u32 s16, $0x7;
	s24 =	sor.u32 s0, s4  }
0x26: {  	(v2sf) =	vpush v1, $0xC;
	s6 =	sor.u32 s15, s7;
	s2 =	sor.u32 s11, s2;
	s18 =	sand.u32 $0xFFFE0000, s18  }
0x27: {  	(v2sf) =	vpush v1, $0x8;
	s25 =	sshll.u32 s19, $0x7;
	s1 =	sshll.u32 s19, $0xE;
	s13 =	spop (v2sf)  }
0x28: {  	s6 =	sor.u32 s0, s6;
	s8 =	sand.u32 $0x380, s22;
	s22 =	sshll.u32 s9, $0x7  }
0x29: {  	(v2sf) =	vpush v1, $0x9;
	s3 =	sand.u32 $0xFFFE0000, s1;
	s4 =	sand.u32 $0x380, s25;
	s14 =	sshll.u32 s13, $0xE  }
0x2a: {  	s16 =	sshll.u32 s13, $0x7;
	s8 =	sor.u32 s18, s8;
	s19 =	sor.u32 s11, s6  }
0x2b: {  	s25 =	sand.u32 $0xFFFE0000, s17;
	s6 =	sand.u32 $0x380, s22;
	s1 =	rddreg [dreg:$0x1]  }
0x2c: {  	s22 =	sor.u32 $0x8, s0;
	s4 =	sor.u32 s3, s4;
	s15 =	sand.u32 $0xFFFE0000, s14  }
0x2d: {  	s16 =	sand.u32 $0x380, s16;
	s18 =	sor.u32 s0, s8;
	s6 =	sor.u32 s25, s6  }
0x2e: {  	s5 =	sor.u32 s15, s16;
	s8 =	sor.u32 s0, s4;
	s4 =	sshrl.u32 s19, $0x3  }
0x2f: {  	v2 =	vbroadcast v1, $0x8;
	s7 =	sor.u32 s11, s18;
	s6 =	sor.u32 s0, s6;
	s5 =	sor.u32 s0, s5  }
0x30: {  	v3 =	vbroadcast v1, $0x9;
	v4 =	vbroadcast v1, $0x0;
	s6 =	sor.u32 s11, s6;
	s7 =	sshrl.u32 s7, $0x3;
	s5 =	sor.u32 s11, s5  }
0x31: {  	v5 =	vbroadcast v1, $0xA;
	v6 =	vbroadcast v1, $0xB;
	vm7 =	veq.s32 v1, v2;
	s28 =	sor.u32 s11, s8;
	s15 =	sshrl.u32 s6, $0x3;
	s5 =	sshrl.u32 s5, $0x3  }
0x32: {  	vm6 =	veq.s32 v1, v3;
	vm9 =	veq.s32 v1, v4;
	v2 =	vbroadcast v1, $0x1;
	s8 =	sadd.s32 s1, s15;
	s15 =	simm.s32 $0x298;
	s3 =	spop (v2sf)  }
0x33: {  	v3 =	vbroadcast v1, $0x2;
	vm5 =	veq.s32 v1, v5;
	v4 =	vbroadcast v1, $0x3;
	s29 =	sadd.s32 s1, s5;
	[dreg:$0x9] =	wrdreg s15;
	s9 =	spop (v2sf)  }
0x34: {  	v5 =	vbroadcast v1, $0x4;
	vm3 =	veq.s32 v1, v6;
	v6 =	vbroadcast v1, $0xF;
	s5 =	simm.s32 $0x260;
	[dreg:$0x8] =	wrdreg s9;
	s13 =	spop (v2sf)  }
0x35: {  	vm12 =	veq.s32 v1, v2;
	vm13 =	veq.s32 v1, v3;
	vm11 =	veq.s32 v1, v4;
	s25 =	spop (v2sf);
	s14 =	sshll.u32 s13, $0xE;
	s9 =	sshll.u32 s13, $0x7  }
0x36: {  	vm10 =	veq.s32 v1, v5;
	v2 =	vbroadcast v1, $0x5;
	v3 =	vbroadcast v1, $0x6;
	s16 =	sand.u32 $0xFFFE0000, s14;
	s9 =	sand.u32 $0x380, s9;
	s17 =	spop (v2sf)  }
0x37: {  	v4 =	vbroadcast v1, $0x7;
	v5 =	vbroadcast v1, $0xD;
	vm0 =	veq.s32 v1, v6;
	[dreg:$0x6] =	wrdreg s3;
	s6 =	sor.u32 s16, s9;
	s18 =	sshll.u32 s17, $0xE  }
0x38: {  	v6 =	vsel vm9, $0x3F800000, v0;
	vm14 =	veq.s32 v1, v2;
	v2 =	vbroadcast v1, $0xC;
	s16 =	sshll.u32 s17, $0x7;
	s17 =	sshrl.u32 s2, $0x3;
	s14 =	spop (v2sf)  }
0x39: {  	vm15 =	veq.s32 v1, v3;
	v3 =	vbroadcast v1, $0xE;
	vm8 =	veq.s32 v1, v4;
	s2 =	simm.s32 $0x220;
	s9 =	simm.s32 $0x240;
	s0 =	sor.u32 s0, s6  }
0x3a: {  	vm2 =	veq.s32 v1, v5;
	v4 =	vsel vm11, $0x3F800000, v0;
	v5 =	vsel vm10, $0x3F800000, v0;
	s19 =	sand.u32 $0xFFFE0000, s18;
	s3 =	sand.u32 $0x380, s16;
	s16 =	sadd.s32 s1, s7  }
0x3b: {  	[tilespmem:s10+$0x200] =	vst v6;
	v6 =	vsel vm15, $0x3F800000, v0;
	vm4 =	veq.s32 v1, v2;
	(v2sf) =	vpush v1, $0xA;
	s30 =	sshll.u32 s14, $0xE;
	s18 =	sshll.u32 s14, $0x7;
	s0 =	sor.u32 s11, s0  }
0x3c: {  	vm1 =	veq.s32 v1, v3;
	v2 =	vsel vm12, $0x3F800000, v0;
	(v2sf) =	vpush v1, $0xB;
	s6 =	simm.s32 $0x250;
	s13 =	sor.u32 s19, s3;
	s0 =	sshrl.u32 s0, $0x3  }
0x3d: {  	v3 =	vsel vm13, $0x3F800000, v0;
	(v2sf) =	vpush v1, $0xD;
	v1 =	vsel vm14, $0x3F800000, v0;
	s19 =	sor.u32 s22, s13;
	s7 =	sadd.s32 s1, s0;
	s0 =	simm.s32 $0x288  }
.LBB2_2:
0x3e: {  	_ =	sdelay $0x2  }
0x3f: {  	[dreg:$0xd] =	wrdreg s26  }
0x40: {  	[dreg:$0xc] =	wrdreg s20;
	s30 =	sand.u32 $0xFFFE0000, s30  }
0x41: {  	s14 =	sand.u32 $0x380, s18;
	s18 =	smov.u32 s23;
	s23 =	rddreg [dreg:$0x4]  }
0x42: {  	s26 =	smov.u32 s12;
	s20 =	rddreg [dreg:$0x3];
	s3 =	smov.u32 s23  }
0x43: {  	s12 =	smov.u32 s21;
	s15 =	smov.u32 s20;
	[dreg:$0xb] =	wrdreg s3  }
0x44: {  	s19 =	sor.u32 s11, s19;
	s24 =	sor.u32 s11, s24;
	[dreg:$0xa] =	wrdreg s15  }
0x45: {  	s21 =	sor.u32 s30, s14;
	s24 =	sshrl.u32 s24, $0x3;
	s15 =	rddreg [dreg:$0x1]  }
0x46: {  	s14 =	sadd.s32 s15, s4;
	s4 =	sshrl.u32 s19, $0x3;
	s19 =	sor.u32 s22, s21  }
0x47: {  	s21 =	sshrl.u32 s28, $0x3;
	s17 =	sadd.s32 s15, s17;
	s24 =	sadd.s32 s15, s24  }
0x48: {  	s19 =	sor.u32 s11, s19;
	s4 =	sadd.s32 s15, s4;
	s1 =	spop (v2sf)  }
0x49: {  	s19 =	sshrl.u32 s19, $0x3;
	s30 =	spop (v2sf);
	s3 =	sshll.u32 s1, $0xE  }
0x4a: {  	s1 =	sshll.u32 s1, $0x7;
	s13 =	sshll.u32 s30, $0xE;
	s3 =	sand.u32 $0xFFFE0000, s3  }
0x4b: {  	s1 =	sand.u32 $0x380, s1;
	s28 =	sshll.u32 s30, $0x7;
	s30 =	simm.s32 $0x0  }
0x4c: {  	s13 =	sand.u32 $0xFFFE0000, s13;
	s1 =	sor.u32 s3, s1;
	s28 =	sand.u32 $0x380, s28  }
0x4d: {  	[hbm4b:s16+s30] =	stream.linear.scatter [tilespmem:s31], [sflag:$0x1], $0x8, $0x38;
	[tilespmem:$0x2200] =	vst v63  }
0x4e: {  	s3 =	spop (v2sf);
	s16 =	rddreg [dreg:$0x7];
	s13 =	sor.u32 s13, s28  }
0x4f: {  	[tilespmem:s10+$0x210] =	vst v2;
	s28 =	sshll.u32 s25, $0xE;
	s25 =	sshll.u32 s25, $0x7;
	s1 =	sor.u32 s22, s1  }
0x50: {  	[hbm4b:s17+s30] =	stream.linear.scatter [tilespmem:s16], [sflag:$0x1], $0x8, $0x38;
	[tilespmem:$0x2200] =	vst v63  }
0x51: {  	s13 =	sor.u32 s22, s13;
	s16 =	sadd.s32 s15, s19;
	s19 =	sand.u32 $0x380, s25  }
0x52: {  	s25 =	sshll.u32 s3, $0xE;
	s3 =	sshll.u32 s3, $0x7;
	s1 =	sor.u32 s11, s1  }
0x53: {  	s13 =	sor.u32 s11, s13;
	[tilespmem:s10+$0x220] =	vst v3;
	s3 =	sand.u32 $0x380, s3;
	s1 =	sshrl.u32 s1, $0x3  }
0x54: {  	[hbm4b:s24+s30] =	stream.linear.scatter [tilespmem:s2], [sflag:$0x1], $0x8, $0x38;
	[tilespmem:$0x2200] =	vst v63  }
0x55: {  	s17 =	sshrl.u32 s13, $0x3;
	s13 =	sand.u32 $0xFFFE0000, s28;
	s2 =	sand.u32 $0xFFFE0000, s25  }
0x56: {  	s24 =	rddreg [dreg:$0x5];
	s25 =	sadd.s32 s15, s21;
	[tilespmem:s10+$0x230] =	vst v4;
	s13 =	sor.u32 s13, s19  }
0x57: {  	[hbm4b:s14+s30] =	stream.linear.scatter [tilespmem:s24], [sflag:$0x1], $0x8, $0x38;
	[tilespmem:$0x2200] =	vst v63  }
0x58: {  	s2 =	sor.u32 s2, s3;
	s19 =	rddreg [dreg:$0x6];
	s13 =	sor.u32 s22, s13  }
0x59: {  	s2 =	sor.u32 s22, s2;
	s21 =	sshll.u32 s19, $0xE;
	s24 =	rddreg [dreg:$0x8];
	[tilespmem:s10+$0x240] =	vst v5  }
0x5a: {  	[hbm4b:s25+s30] =	stream.linear.scatter [tilespmem:s9], [sflag:$0x1], $0x8, $0x38;
	[tilespmem:$0x2200] =	vst v63  }
0x5b: {  	s14 =	sshll.u32 s19, $0x7;
	s19 =	rddreg [dreg:$0xd];
	s13 =	sor.u32 s11, s13;
	[tilespmem:s10+$0x250] =	vst v1  }
0x5c: {  	[hbm4b:s29+s30] =	stream.linear.scatter [tilespmem:s6], [sflag:$0x1], $0x8, $0x38;
	[tilespmem:$0x2200] =	vst v63  }
0x5d: {  	s2 =	sor.u32 s11, s2;
	s21 =	sand.u32 $0xFFFE0000, s21;
	s3 =	sshrl.u32 s13, $0x3;
	[tilespmem:s10+$0x260] =	vst v6  }
0x5e: {  	v1 =	vsel vm8, $0x3F800000, v0;
	[hbm4b:s8+s30] =	stream.linear.scatter [tilespmem:s5], [sflag:$0x1], $0x8, $0x38;
	[tilespmem:$0x2200] =	vst v63  }
0x5f: {  	s25 =	sshll.u32 s24, $0xE;
	s13 =	sshll.u32 s24, $0x7;
	s24 =	sand.u32 $0x380, s14;
	[tilespmem:s10+$0x270] =	vst v1  }
0x60: {  	v7 =	vsel vm7, $0x3F800000, v0;
	[hbm4b:s7+s30] =	stream.linear.scatter [tilespmem:s19], [sflag:$0x1], $0x8, $0x38;
	[tilespmem:$0x2200] =	vst v63  }
0x61: {  	s14 =	sadd.s32 s15, s17;
	s2 =	sshrl.u32 s2, $0x3;
	s9 =	sor.u32 s21, s24;
	[tilespmem:s10+$0x280] =	vst v7  }
0x62: {  	v2 =	vsel vm6, $0x3F800000, v0;
	[hbm4b:s4+s30] =	stream.linear.scatter [tilespmem:s0], [sflag:$0x1], $0x8, $0x38;
	[tilespmem:$0x2200] =	vst v63  }
0x63: {  	s6 =	sand.u32 $0xFFFE0000, s25;
	s8 =	sand.u32 $0x380, s13;
	s13 =	rddreg [dreg:$0x9];
	[tilespmem:s10+$0x290] =	vst v2  }
0x64: {  	v3 =	vsel vm5, $0x3F800000, v0;
	[hbm4b:s16+s30] =	stream.linear.scatter [tilespmem:s13], [sflag:$0x1], $0x8, $0x38;
	[tilespmem:$0x2200] =	vst v63  }
0x65: {  	s21 =	sadd.s32 s15, s2;
	s25 =	sadd.s32 s15, s1;
	s5 =	sor.u32 s6, s8;
	[tilespmem:s10+$0x2A0] =	vst v3  }
0x66: {  	v1 =	vsel vm3, $0x3F800000, v0;
	[hbm4b:s25+s30] =	stream.linear.scatter [tilespmem:s18], [sflag:$0x1], $0x8, $0x38;
	[tilespmem:$0x2200] =	vst v63  }
0x67: {  	s8 =	sor.u32 s22, s5;
	s19 =	sadd.s32 $0x2C8, s10;
	s18 =	rddreg [dreg:$0xc];
	[tilespmem:s10+$0x2B0] =	vst v1  }
0x68: {  	v1 =	vsel vm4, $0x3F800000, v0;
	[hbm4b:s14+s30] =	stream.linear.scatter [tilespmem:s18], [sflag:$0x1], $0x8, $0x38;
	[tilespmem:$0x2200] =	vst v63  }
0x69: {  	s1 =	sor.u32 s11, s8;
	s4 =	sor.u32 s22, s9;
	s16 =	sadd.s32 s15, s3;
	[tilespmem:s10+$0x2C0] =	vst v1  }
0x6a: {  	v1 =	vsel vm2, $0x3F800000, v0;
	[hbm4b:s16+s30] =	stream.linear.scatter [tilespmem:s19], [sflag:$0x1], $0x8, $0x38;
	[tilespmem:$0x2200] =	vst v63  }
0x6b: {  	s1 =	sshrl.u32 s1, $0x3;
	s22 =	sadd.s32 $0x2D8, s10;
	s17 =	sor.u32 s11, s4;
	[tilespmem:s10+$0x2D0] =	vst v1  }
0x6c: {  	v1 =	vsel vm1, $0x3F800000, v0;
	[hbm4b:s21+s30] =	stream.linear.scatter [tilespmem:s22], [sflag:$0x1], $0x8, $0x38;
	[tilespmem:$0x2200] =	vst v63  }
0x6d: {  	s24 =	sadd.s32 s15, s1;
	s3 =	sshrl.u32 s17, $0x3;
	s25 =	sadd.s32 $0x2E8, s10;
	[tilespmem:s10+$0x2E0] =	vst v1  }
0x6e: {  	v1 =	vsel vm0, $0x3F800000, v0;
	[hbm4b:s24+s30] =	stream.linear.scatter [tilespmem:s25], [sflag:$0x1], $0x8, $0x38;
	[tilespmem:$0x2200] =	vst v63  }
0x6f: {  	s2 =	sadd.s32 s15, s3;
	s3 =	sadd.s32 $0x2F8, s10;
	[tilespmem:s10+$0x2F0] =	vst v1  }
0x70: {  	[hbm4b:s2+s30] =	stream.linear.scatter [tilespmem:s3], [sflag:$0x1], $0x8, $0x38;
	[tilespmem:$0x2200] =	vst v63  }
0x71: {  	v1 =	vld [tilespmem:s26+$0x0];
	_ =	sdelay $0x4  }
0x72: {  	(v2sf) =	vpush v1, $0x1  }
0x73: {  	(v2sf) =	vpush v1, $0x2  }
0x74: {  	(v2sf) =	vpush v1, $0x3;
	_ =	sdelay $0x1  }
0x75: {  	(v2sf) =	vpush v1, $0x6;
	_ =	sdelay $0x1  }
0x76: {  	(v2sf) =	vpush v1, $0x0  }
0x77: {  	p0 =	sne.s32 s23, $0x7C00;
	s23 =	sadd.s32 $0x400, s23  }
0x78: {  	s20 =	sadd.s32 $0x80, s20;
	[dreg:$0x4] =	wrdreg s23;
	(v2sf) =	vpush v1, $0x4  }
0x79: {  	[dreg:$0x3] =	wrdreg s20  }
0x7a: {  	s5 =	rddreg [dreg:$0xa]  }
0x7b: {  	s7 =	sand.u32 $0x70, s12;
	s4 =	rddreg [dreg:$0xb];
	s11 =	sand.u32 $0x1FC00, s5;
	(v2sf) =	vpush v1, $0x5  }
0x7c: {  	s21 =	sadd.s32 $0x10, s12;
	s12 =	sadd.s32 $0x10, s26;
	s10 =	sshra.s32 s4, $0x2  }
0x7d: {  	s0 =	sadd.s32 $0x230, s10;
	s23 =	sadd.s32 $0x2A8, s10;
	s20 =	sadd.s32 $0x2B8, s10  }
0x7e: {  	s6 =	sadd.s32 $0x210, s10;
	s31 =	sadd.s32 $0x200, s10;
	[dreg:$0x5] =	wrdreg s0  }
0x7f: {  	[dreg:$0x7] =	wrdreg s6;
	s26 =	sadd.s32 $0x270, s10;
	s8 =	spop (v2sf)  }
0x80: {  	s1 =	sshll.u32 s8, $0xE;
	s9 =	spop (v2sf);
	s0 =	sshll.u32 s8, $0x7  }
0x81: {  	s13 =	sshll.u32 s9, $0xE;
	s14 =	spop (v2sf);
	s0 =	sand.u32 $0x380, s0  }
0x82: {  	s2 =	sshll.u32 s9, $0x7;
	s1 =	sand.u32 $0xFFFE0000, s1;
	s3 =	sand.u32 $0xFFFE0000, s13  }
0x83: {  	s16 =	sshll.u32 s14, $0xE;
	s4 =	sshll.u32 s14, $0x7;
	s6 =	spop (v2sf)  }
0x84: {  	s2 =	sand.u32 $0x380, s2;
	s0 =	sor.u32 s1, s0;
	s8 =	sshll.u32 s6, $0xE  }
0x85: {  	(v2sf) =	vpush v1, $0xF;
	s17 =	spop (v2sf);
	s4 =	sand.u32 $0x380, s4;
	s2 =	sor.u32 s3, s2  }
0x86: {  	(v2sf) =	vpush v1, $0xE;
	s22 =	sand.u32 $0xFFFE0000, s16;
	s0 =	sor.u32 s7, s0;
	s6 =	sshll.u32 s6, $0x7  }
0x87: {  	(v2sf) =	vpush v1, $0x7;
	s18 =	sshll.u32 s17, $0xE;
	s19 =	spop (v2sf);
	s25 =	sshll.u32 s17, $0x7  }
0x88: {  	(v2sf) =	vpush v1, $0xC;
	s24 =	sor.u32 s7, s2;
	s2 =	sadd.s32 $0x220, s10;
	s3 =	sor.u32 s22, s4  }
0x89: {  	s8 =	sand.u32 $0xFFFE0000, s8;
	s13 =	sand.u32 $0xFFFE0000, s18;
	s16 =	sshll.u32 s19, $0x7  }
0x8a: {  	s17 =	sshll.u32 s19, $0xE;
	(v2sf) =	vpush v1, $0x8;
	s18 =	spop (v2sf);
	s3 =	sor.u32 s7, s3  }
0x8b: {  	s5 =	sand.u32 $0x380, s25;
	s4 =	sand.u32 $0xFFFE0000, s17;
	s9 =	sand.u32 $0x380, s16  }
0x8c: {  	s19 =	sshll.u32 s18, $0xE;
	s14 =	sshll.u32 s18, $0x7;
	s5 =	sor.u32 s13, s5  }
0x8d: {  	s13 =	sor.u32 s11, s0;
	s0 =	sadd.s32 $0x288, s10;
	s4 =	sor.u32 s4, s9  }
0x8e: {  	(v2sf) =	vpush v1, $0x9;
	s22 =	sand.u32 $0xFFFE0000, s19;
	s25 =	sand.u32 $0x380, s14;
	s5 =	sor.u32 s7, s5  }
0x8f: {  	s9 =	sadd.s32 $0x298, s10;
	s1 =	sor.u32 s22, s25;
	s14 =	sor.u32 s7, s4  }
0x90: {  	s4 =	sor.u32 s11, s3;
	s3 =	sand.u32 $0x380, s6;
	[dreg:$0x9] =	wrdreg s9  }
0x91: {  	v3 =	vbroadcast v1, $0x9;
	s19 =	sor.u32 s11, s5;
	s5 =	sadd.s32 $0x260, s10;
	s22 =	sor.u32 $0x8, s7  }
0x92: {  	v2 =	vbroadcast v1, $0x8;
	v4 =	vbroadcast v1, $0x0;
	s1 =	sor.u32 s7, s1;
	s4 =	sshrl.u32 s4, $0x3;
	s17 =	sor.u32 s8, s3  }
0x93: {  	v5 =	vbroadcast v1, $0xA;
	v6 =	vbroadcast v1, $0x4;
	vm6 =	veq.s32 v1, v3;
	s3 =	sshrl.u32 s19, $0x3;
	s28 =	sor.u32 s11, s14;
	s1 =	sor.u32 s11, s1  }
0x94: {  	vm15 =	veq.s32 v1, v4;
	v3 =	vbroadcast v1, $0x1;
	v4 =	vbroadcast v1, $0x2;
	s6 =	sor.u32 s7, s17;
	s1 =	sshrl.u32 s1, $0x3;
	s16 =	spop (v2sf)  }
0x95: {  	vm7 =	veq.s32 v1, v2;
	vm5 =	veq.s32 v1, v5;
	v5 =	vbroadcast v1, $0x3;
	s6 =	sor.u32 s11, s6;
	s29 =	sadd.s32 s15, s1;
	s18 =	spop (v2sf)  }
0x96: {  	v2 =	vbroadcast v1, $0xB;
	vm14 =	veq.s32 v1, v3;
	vm13 =	veq.s32 v1, v4;
	s1 =	sshrl.u32 s6, $0x3;
	[dreg:$0x6] =	wrdreg s16;
	s9 =	spop (v2sf)  }
0x97: {  	vm12 =	veq.s32 v1, v5;
	v3 =	vbroadcast v1, $0x5;
	v4 =	vbroadcast v1, $0x6;
	s6 =	sadd.s32 $0x250, s10;
	[dreg:$0x8] =	wrdreg s18;
	s25 =	spop (v2sf)  }
0x98: {  	v5 =	vbroadcast v1, $0x7;
	vm3 =	veq.s32 v1, v2;
	v2 =	vbroadcast v1, $0xC;
	s16 =	sshll.u32 s9, $0xE;
	s8 =	sshll.u32 s9, $0x7;
	s9 =	sadd.s32 $0x240, s10  }
0x99: {  	vm11 =	veq.s32 v1, v6;
	vm10 =	veq.s32 v1, v3;
	v3 =	vbroadcast v1, $0xD;
	s17 =	sand.u32 $0xFFFE0000, s16;
	s8 =	sand.u32 $0x380, s8;
	s18 =	spop (v2sf)  }
0x9a: {  	vm9 =	veq.s32 v1, v4;
	vm8 =	veq.s32 v1, v5;
	vm4 =	veq.s32 v1, v2;
	s16 =	sadd.s32 s15, s3;
	s8 =	sor.u32 s17, s8;
	s19 =	sshll.u32 s18, $0xE  }
.Ltmp0:
0x9b: {  	v2 =	vbroadcast v1, $0xE;
	v4 =	vsel vm12, $0x3F800000, v0;
	v5 =	vsel vm11, $0x3F800000, v0;
	s17 =	sshll.u32 s18, $0x7;
	s7 =	sor.u32 s7, s8;
	(pc) =	sbr.rel @p0 .LBB2_2-.Ltmp0, $4  }
0x9c: {  	v6 =	vsel vm9, $0x3F800000, v0;
	vm2 =	veq.s32 v1, v3;
	v3 =	vbroadcast v1, $0xF;
	s18 =	sand.u32 $0xFFFE0000, s19;
	s19 =	sand.u32 $0x380, s17;
	s17 =	sshrl.u32 s13, $0x3  }
0x9d: {  	vm1 =	veq.s32 v1, v2;
	v2 =	vsel vm15, $0x3F800000, v0;
	(v2sf) =	vpush v1, $0xA;
	s13 =	sor.u32 s11, s7;
	s14 =	sor.u32 s18, s19;
	s18 =	spop (v2sf)  }
0x9e: {  	[tilespmem:s10+$0x200] =	vst v2;
	v2 =	vsel vm14, $0x3F800000, v0;
	vm0 =	veq.s32 v1, v3;
	(v2sf) =	vpush v1, $0xB;
	s8 =	sadd.s32 s15, s1;
	s19 =	sshrl.u32 s13, $0x3;
	s30 =	sshll.u32 s18, $0xE  }
0x9f: {  	v3 =	vsel vm13, $0x3F800000, v0;
	(v2sf) =	vpush v1, $0xD;
	v1 =	vsel vm10, $0x3F800000, v0;
	s18 =	sshll.u32 s18, $0x7;
	s7 =	sadd.s32 s15, s19;
	s19 =	sor.u32 s22, s14  }
0xa0: {  	s12 =	simm.s32 $0x0;
	s3 =	rddreg [dreg:$0x1]  }
0xa1: {  	[hbm4b:s16+s12] =	stream.linear.scatter [tilespmem:s31], [sflag:$0x1], $0x8, $0x38;
	[tilespmem:$0x2200] =	vst v63  }
0xa2: {  	s13 =	rddreg [dreg:$0x7];
	s21 =	sor.u32 s11, s24;
	s1 =	sadd.s32 s3, s17;
	[tilespmem:s10+$0x210] =	vst v2  }
0xa3: {  	[hbm4b:s1+s12] =	stream.linear.scatter [tilespmem:s13], [sflag:$0x1], $0x8, $0x38;
	[tilespmem:$0x2200] =	vst v63  }
0xa4: {  	s1 =	sshrl.u32 s21, $0x3  }
0xa5: {  	[tilespmem:s10+$0x220] =	vst v3;
	s1 =	sadd.s32 s3, s1  }
0xa6: {  	[hbm4b:s1+s12] =	stream.linear.scatter [tilespmem:s2], [sflag:$0x1], $0x8, $0x38;
	[tilespmem:$0x2200] =	vst v63  }
0xa7: {  	s24 =	sadd.s32 s3, s4;
	s31 =	rddreg [dreg:$0x5];
	s2 =	sshrl.u32 s28, $0x3;
	[tilespmem:s10+$0x230] =	vst v4  }
0xa8: {  	[hbm4b:s24+s12] =	stream.linear.scatter [tilespmem:s31], [sflag:$0x1], $0x8, $0x38;
	[tilespmem:$0x2200] =	vst v63  }
0xa9: {  	s1 =	sadd.s32 s3, s2;
	[tilespmem:s10+$0x240] =	vst v5  }
0xaa: {  	[hbm4b:s1+s12] =	stream.linear.scatter [tilespmem:s9], [sflag:$0x1], $0x8, $0x38;
	[tilespmem:$0x2200] =	vst v63  }
0xab: {  	[tilespmem:s10+$0x250] =	vst v1  }
0xac: {  	[hbm4b:s29+s12] =	stream.linear.scatter [tilespmem:s6], [sflag:$0x1], $0x8, $0x38;
	[tilespmem:$0x2200] =	vst v63  }
0xad: {  	s4 =	sor.u32 s11, s19;
	[tilespmem:s10+$0x260] =	vst v6  }
0xae: {  	v1 =	vsel vm8, $0x3F800000, v0;
	[hbm4b:s8+s12] =	stream.linear.scatter [tilespmem:s5], [sflag:$0x1], $0x8, $0x38;
	[tilespmem:$0x2200] =	vst v63  }
0xaf: {  	s1 =	sshrl.u32 s4, $0x3;
	[tilespmem:s10+$0x270] =	vst v1  }
0xb0: {  	v1 =	vsel vm7, $0x3F800000, v0;
	[hbm4b:s7+s12] =	stream.linear.scatter [tilespmem:s26], [sflag:$0x1], $0x8, $0x38;
	[tilespmem:$0x2200] =	vst v63  }
0xb1: {  	s1 =	sadd.s32 s3, s1;
	s6 =	sand.u32 $0x380, s18;
	s5 =	sand.u32 $0xFFFE0000, s30;
	[tilespmem:s10+$0x280] =	vst v1  }
0xb2: {  	[hbm4b:s1+s12] =	stream.linear.scatter [tilespmem:s0], [sflag:$0x1], $0x8, $0x38;
	[tilespmem:$0x2200] =	vst v63  }
0xb3: {  	s0 =	sor.u32 s5, s6  }
0xb4: {  	s0 =	sor.u32 s22, s0  }
0xb5: {  	s0 =	sor.u32 s11, s0  }
0xb6: {  	v1 =	vsel vm6, $0x3F800000, v0;
	s0 =	sshrl.u32 s0, $0x3  }
0xb7: {  	s8 =	spop (v2sf);
	s7 =	rddreg [dreg:$0x9];
	[tilespmem:s10+$0x290] =	vst v1;
	s0 =	sadd.s32 s3, s0  }
0xb8: {  	[hbm4b:s0+s12] =	stream.linear.scatter [tilespmem:s7], [sflag:$0x1], $0x8, $0x38;
	[tilespmem:$0x2200] =	vst v63  }
0xb9: {  	s9 =	sshll.u32 s8, $0xE;
	s0 =	sshll.u32 s8, $0x7  }
0xba: {  	s1 =	sand.u32 $0xFFFE0000, s9;
	s0 =	sand.u32 $0x380, s0  }
0xbb: {  	s0 =	sor.u32 s1, s0  }
0xbc: {  	s0 =	sor.u32 s22, s0  }
0xbd: {  	s0 =	sor.u32 s11, s0  }
0xbe: {  	v1 =	vsel vm5, $0x3F800000, v0;
	s0 =	sshrl.u32 s0, $0x3  }
0xbf: {  	s13 =	spop (v2sf);
	[tilespmem:s10+$0x2A0] =	vst v1;
	s0 =	sadd.s32 s3, s0  }
0xc0: {  	[hbm4b:s0+s12] =	stream.linear.scatter [tilespmem:s23], [sflag:$0x1], $0x8, $0x38;
	[tilespmem:$0x2200] =	vst v63  }
0xc1: {  	s14 =	sshll.u32 s13, $0xE;
	s0 =	sshll.u32 s13, $0x7  }
0xc2: {  	s1 =	sand.u32 $0xFFFE0000, s14;
	s0 =	sand.u32 $0x380, s0  }
0xc3: {  	s0 =	sor.u32 s1, s0  }
0xc4: {  	s0 =	sor.u32 s22, s0  }
0xc5: {  	s0 =	sor.u32 s11, s0  }
0xc6: {  	v1 =	vsel vm3, $0x3F800000, v0;
	s0 =	sshrl.u32 s0, $0x3  }
0xc7: {  	s15 =	sshll.u32 s25, $0xE;
	s16 =	sshll.u32 s25, $0x7;
	[tilespmem:s10+$0x2B0] =	vst v1;
	s0 =	sadd.s32 s3, s0  }
0xc8: {  	[hbm4b:s0+s12] =	stream.linear.scatter [tilespmem:s20], [sflag:$0x1], $0x8, $0x38;
	[tilespmem:$0x2200] =	vst v63  }
0xc9: {  	s1 =	sand.u32 $0x380, s16;
	s0 =	sand.u32 $0xFFFE0000, s15  }
0xca: {  	s0 =	sor.u32 s0, s1  }
0xcb: {  	s0 =	sor.u32 s22, s0  }
0xcc: {  	s0 =	sor.u32 s11, s0  }
0xcd: {  	v1 =	vsel vm4, $0x3F800000, v0;
	s0 =	sshrl.u32 s0, $0x3  }
0xce: {  	s17 =	sadd.s32 $0x2C8, s10;
	s18 =	spop (v2sf);
	[tilespmem:s10+$0x2C0] =	vst v1;
	s0 =	sadd.s32 s3, s0  }
0xcf: {  	[hbm4b:s0+s12] =	stream.linear.scatter [tilespmem:s17], [sflag:$0x1], $0x8, $0x38;
	[tilespmem:$0x2200] =	vst v63  }
0xd0: {  	s19 =	sshll.u32 s18, $0xE;
	s0 =	sshll.u32 s18, $0x7  }
0xd1: {  	s1 =	sand.u32 $0xFFFE0000, s19;
	s0 =	sand.u32 $0x380, s0  }
0xd2: {  	s0 =	sor.u32 s1, s0  }
0xd3: {  	s0 =	sor.u32 s22, s0  }
0xd4: {  	s21 =	rddreg [dreg:$0x8];
	s0 =	sor.u32 s11, s0  }
0xd5: {  	s23 =	sshll.u32 s21, $0xE;
	v1 =	vsel vm2, $0x3F800000, v0;
	s0 =	sshrl.u32 s0, $0x3  }
0xd6: {  	s20 =	sadd.s32 $0x2D8, s10;
	[tilespmem:s10+$0x2D0] =	vst v1;
	s1 =	sshll.u32 s21, $0x7;
	s0 =	sadd.s32 s3, s0  }
0xd7: {  	[hbm4b:s0+s12] =	stream.linear.scatter [tilespmem:s20], [sflag:$0x1], $0x8, $0x38;
	[tilespmem:$0x2200] =	vst v63  }
0xd8: {  	s1 =	sand.u32 $0x380, s1;
	s0 =	sand.u32 $0xFFFE0000, s23  }
0xd9: {  	s0 =	sor.u32 s0, s1  }
0xda: {  	s0 =	sor.u32 s22, s0  }
0xdb: {  	s0 =	sor.u32 s11, s0  }
0xdc: {  	s25 =	rddreg [dreg:$0x6];
	s24 =	sadd.s32 $0x2E8, s10;
	v1 =	vsel vm1, $0x3F800000, v0;
	s0 =	sshrl.u32 s0, $0x3  }
0xdd: {  	s26 =	sshll.u32 s25, $0xE;
	[tilespmem:s10+$0x2E0] =	vst v1;
	s1 =	sshll.u32 s25, $0x7;
	s0 =	sadd.s32 s3, s0  }
0xde: {  	[hbm4b:s0+s12] =	stream.linear.scatter [tilespmem:s24], [sflag:$0x1], $0x8, $0x38;
	[tilespmem:$0x2200] =	vst v63  }
0xdf: {  	s1 =	sand.u32 $0x380, s1;
	s0 =	sand.u32 $0xFFFE0000, s26  }
0xe0: {  	s0 =	sor.u32 s0, s1  }
0xe1: {  	s0 =	sor.u32 s22, s0  }
0xe2: {  	s0 =	sor.u32 s11, s0  }
0xe3: {  	v1 =	vsel vm0, $0x3F800000, v0;
	s0 =	sshrl.u32 s0, $0x3  }
0xe4: {  	s28 =	sadd.s32 $0x2F8, s10;
	s29 =	simm.s32 $0x1;
	[tilespmem:s10+$0x2F0] =	vst v1;
	s0 =	sadd.s32 s3, s0  }
0xe5: {  	[hbm4b:s0+s12] =	stream.linear.scatter [tilespmem:s28], [sflag:$0x1], $0x8, $0x38;
	[tilespmem:$0x2200] =	vst v63  }
0xe6: {  	_ =	swait.ge [sflag:s29], $0x1000  }
0xe7: {  	s30 =	rddreg [dreg:$0x11]  }
0xe8: {  	s31 =	rddreg [dreg:$0xf];
	s2 =	sadd.s32 $0x1, s30  }
0xe9: {  	p0 =	sne.s32 s2, s31  }
.Ltmp1:
0xea: {  	_ = 	snop;
	(pc) =	sbr.rel @p0 .LBB2_1-.Ltmp1, $3  }
0xeb: {  	_ =	sdelay $0x1  }
0xec: {  	[sflag:s29] =	ssyncset.done $0x0  }
0xed: {  	[sflag:s29] =	ssyncadd.s32 $0xFFFFF000  }
0xee: {  	_ =	sfence.sel $0x180000  }
0xef: {  	[bflag:$0x0] =	sbarrier.arrive $0xFFFF  }
0xf0: {  	_ =	strace $0x90000047  }
0xf1: {  	s0 =	stileid.u32;
	[bflag:$0x2] =	sbarrier.arrive $0xFFFF  }
0xf2: {  	p0 =	sne.s32 s0, $0x0;
	s0 =	rddreg [dreg:$0x2]  }
0xf3: {  	s0 =	sadd.s32 @!p0 $0x100000, s0  }
0xf4: {  	[sflag:s0] =	ssyncadd.tile.s32 @!p0 $0x1;
	_ =	shalt  }
.Lfunc_end2:
_tile_overlayer_lowered:
.L_overlay_start_2:
0xf5: {  	(tag) =	ssettag $0x2  }
0xf6: {  	s0 =	rddreg [dreg:$0x0];
	s2 =	stileid.u32  }
0xf7: {  	s1 =	rddreg [dreg:$0x1];
	p0 =	sne.s32 s2, $0x0  }
0xf8: {  	s3 =	rddreg [dreg:$0x2];
	[bflag:$0x3] =	sbarrier.arrive $0xFFFF;
	s2 =	simm.s32 @!p0 $0x1C02  }
0xf9: {  	[timem:s3], [sflag:s2] =	dma.local @!p0 [hbm:s0], s1  }
0xfa: {  	s0 =	simm.s32 @!p0 $0x2  }
0xfb: {  	_ =	swait.ge @!p0 [sflag:s0], s1  }
0xfc: {  	s1 =	ssub.s32 @!p0 $0x0, s1;
	[sflag:s0] =	ssyncset.done @!p0 $0x0  }
0xfd: {  	[sflag:s0] =	ssyncadd.s32 @!p0 s1  }
0xfe: {  	[bflag:$0x3] =	sbarrier.arrive $0xFFFF  }
0xff: {  	_ =	shalt  }

</sc_bundles>
